<compile_context>
chip_gen: v7x
topology: tpu7x:2x2x1
jax: 0.10.2.dev20260603
libtpu: 0.0.44.dev20260713+nightly
codegen_flags: <defaults>
</compile_context>

<pallas_src>
import jax
import jax.numpy as jnp
import numpy as np
from jax import lax
from jax.experimental import pallas as pl
from jax.experimental.pallas import tpu as pltpu
from jax.experimental.pallas import tpu_sc as plsc

B = 64
H = 24
W = 24
D_IN = 768
D_EMB = 64
K = 1024
S = 16
GH = 4
GW = 4
EPS = 1e-12

NB = 4
NSTEP = B // NB
P = H * W
NT = B * S

LANES = 16

_HP = H // GH
_WP = W // GW
_HIGHEST = jax.lax.Precision.HIGHEST


def _pool_matrix() -> np.ndarray:
    Pm = np.zeros((S, P), np.float32)
    for gh in range(GH):
        for gw in range(GW):
            s = gh * GW + gw
            for h in range(gh * _HP, (gh + 1) * _HP):
                for w in range(gw * _WP, (gw + 1) * _WP):
                    Pm[s, h * W + w] = 1.0 / (_HP * _WP)
    return Pm


def _resize_axis(out_size: int, in_size: int) -> np.ndarray:
    Rm = np.zeros((out_size, in_size), np.float64)
    scale = in_size / out_size
    for o in range(out_size):
        src = (o + 0.5) * scale - 0.5
        i0 = int(np.floor(src))
        t = src - i0
        for idx, wt in ((i0, 1.0 - t), (i0 + 1, t)):
            Rm[o, min(max(idx, 0), in_size - 1)] += wt
    return Rm


def _resize_matrix_blk() -> np.ndarray:
    Rh = _resize_axis(H, GH)
    Rw = _resize_axis(W, GW)
    R = np.einsum("hi,wj->hwij", Rh, Rw).reshape(P, S)
    out = np.zeros((NB * P, NB * S + NB), np.float64)
    for j in range(NB):
        out[j * P:(j + 1) * P, j * S:(j + 1) * S] = R
        out[j * P:(j + 1) * P, NB * S + j] = 1.0
    return out.astype(np.float32)


def _pool_matrix_blk2() -> np.ndarray:
    Pm = (_pool_matrix() > 0).astype(np.float32)
    out = np.zeros((2 * S, 2 * P), np.float32)
    for j in range(2):
        out[j * S:(j + 1) * S, j * P:(j + 1) * P] = Pm
    return out


_PM2 = _pool_matrix_blk2()
_RA4 = _resize_matrix_blk()


def _enc_body(t0_ref, t1_ref, pm_ref, win_ref, bin_ref, cb_ref,
              dist_ref, cnt_ref, wbf_ref):
    step = pl.program_id(0)

    @pl.when(step == 0)
    def _():
        cb = cb_ref[...]
        cnt_ref[...] = jnp.sum(cb * cb, axis=1, keepdims=True)
        wbf_ref[...] = win_ref[...].astype(jnp.bfloat16).astype(jnp.float32)

    x = (t1_ref[...] - t0_ref[...]).reshape(2 * P, D_IN)
    px = jax.lax.dot_general(
        pm_ref[...], x, (((1,), (0,)), ((), ())),
        preferred_element_type=jnp.float32)
    enc = jax.lax.dot_general(
        px, wbf_ref[...], (((1,), (1,)), ((), ())),
        precision=_HIGHEST) * (1.0 / (_HP * _WP)) + bin_ref[...]
    scores_t = jax.lax.dot_general(
        cb_ref[...], enc, (((1,), (1,)), ((), ())),
        preferred_element_type=jnp.float32)
    dist_ref[0] = cnt_ref[...] - 2.0 * scores_t


def _tc_encode(t0f, t1f, w_in, b_in, codebooks):
    full = lambda shape: pl.BlockSpec(shape, lambda b: (0,) * len(shape))
    return pl.pallas_call(
        _enc_body,
        grid=(B // 2,),
        in_specs=[
            pl.BlockSpec((2, P, D_IN), lambda b: (b, 0, 0)),
            pl.BlockSpec((2, P, D_IN), lambda b: (b, 0, 0)),
            full((2 * S, 2 * P)),
            full((D_EMB, D_IN)),
            full((1, D_EMB)),
            full((K, D_EMB)),
        ],
        out_specs=pl.BlockSpec((1, K, 2 * S), lambda b: (b, 0, 0)),
        out_shape=jax.ShapeDtypeStruct((B // 2, K, 2 * S), jnp.float32),
        scratch_shapes=[
            pltpu.VMEM((K, 1), jnp.float32),
            pltpu.VMEM((D_EMB, D_IN), jnp.float32),
        ],
        compiler_params=pltpu.CompilerParams(
            dimension_semantics=("arbitrary",)),
    )(t0f, t1f, jnp.asarray(_PM2), w_in, b_in.reshape(1, D_EMB), codebooks)


def _sc_quant_body(dist_hbm, cb_hbm, idx_hbm, q_hbm, dist_v, idx_v, rows_v,
                   sem):
    wid = lax.axis_index("s") * 2 + lax.axis_index("c")
    TOK = 2 * S
    NG = TOK // LANES
    NC = 4
    CK = K // NC
    base = wid * TOK
    bests = [(jnp.full((LANES,), jnp.inf, jnp.float32),
              jnp.zeros((LANES,), jnp.int32)) for _ in range(NG)]
    for c in range(NC):
        pltpu.sync_copy(dist_hbm.at[wid, pl.ds(CK * c, CK)], dist_v)
        for h in range(NG):

            def body(k, carry, c=c, h=h):
                bestv, bestidx = carry
                for u in range(8):
                    row = k * 8 + u
                    v = dist_v[row, pl.ds(LANES * h, LANES)]
                    m = v < bestv
                    bestv = jnp.where(m, v, bestv)
                    bestidx = jnp.where(
                        m, jnp.full((LANES,), CK * c + row, jnp.int32),
                        bestidx)
                return bestv, bestidx

            bests[h] = lax.fori_loop(0, CK // 8, body, bests[h])
    for h in range(NG):
        idx_v[pl.ds(LANES * h, LANES)] = bests[h][1]
    pltpu.async_copy(cb_hbm.at[idx_v], rows_v, sem).wait()
    pltpu.sync_copy(rows_v, q_hbm.at[pl.ds(base, TOK)])
    pltpu.sync_copy(idx_v, idx_hbm.at[pl.ds(base, TOK)])


def _sc_quantize(dist, codebooks):
    mesh = plsc.VectorSubcoreMesh(core_axis_name="c", subcore_axis_name="s")
    fn = pl.kernel(
        _sc_quant_body,
        mesh=mesh,
        out_type=[
            jax.ShapeDtypeStruct((NT,), jnp.int32),
            jax.ShapeDtypeStruct((NT, 2 * D_EMB), jnp.float32),
        ],
        scratch_types=[
            pltpu.VMEM((K // 4, 2 * S), jnp.float32),
            pltpu.VMEM((2 * S,), jnp.int32),
            pltpu.VMEM((2 * S, 2 * D_EMB), jnp.float32),
            pltpu.SemaphoreType.DMA,
        ],
    )
    return fn(dist, codebooks)


def _dec_body(q_ref, idx_ref, waug_ref, ra_ref, perp_ref, dec_ref, hist_ref):
    step = pl.program_id(0)

    @pl.when(step == 0)
    def _():
        hist_ref[...] = jnp.zeros_like(hist_ref)

    q = q_ref[...]
    iota_k = lax.broadcasted_iota(jnp.int32, (NB * S, K), 1)
    onehot = (iota_k == idx_ref[...]).astype(jnp.float32)
    hist_ref[...] += onehot

    qz = jnp.concatenate([q, jnp.zeros((NB, D_EMB), jnp.float32)], axis=0)
    col = (lax.broadcasted_iota(jnp.int32, (NB * S + NB, 1), 0) >= NB * S
           ).astype(jnp.float32)
    q_aug = jnp.concatenate([qz, col], axis=1)
    up = jax.lax.dot_general(ra_ref[...], q_aug, (((1,), (0,)), ((), ())),
                             preferred_element_type=jnp.float32)
    dec = jax.lax.dot_general(
        up, waug_ref[...], (((1,), (1,)), ((), ())),
        preferred_element_type=jnp.float32)
    dec_ref[...] = dec.reshape(NB, P, D_IN)

    @pl.when(step == NSTEP - 1)
    def _():
        avg = jnp.sum(hist_ref[...], axis=0, keepdims=True) * (1.0 / (B * S))
        ent = jnp.sum(avg * jnp.log(avg + EPS), axis=(0, 1), keepdims=True)
        perp_ref[...] = jnp.exp(-ent)


def _tc_decode(q_flat, idx_col, w_aug):
    full = lambda shape: pl.BlockSpec(shape, lambda b: (0,) * len(shape))
    return pl.pallas_call(
        _dec_body,
        grid=(NSTEP,),
        in_specs=[
            pl.BlockSpec((NB * S, D_EMB), lambda b: (b, 0)),
            pl.BlockSpec((NB * S, 1), lambda b: (b, 0)),
            full((D_IN, D_EMB + 1)),
            full((NB * P, NB * S + NB)),
        ],
        out_specs=[
            pl.BlockSpec((1, 1), lambda b: (0, 0)),
            pl.BlockSpec((NB, P, D_IN), lambda b: (b, 0, 0)),
        ],
        out_shape=[
            jax.ShapeDtypeStruct((1, 1), jnp.float32),
            jax.ShapeDtypeStruct((B, P, D_IN), jnp.float32),
        ],
        scratch_shapes=[
            pltpu.VMEM((NB * S, K), jnp.float32),
        ],
        compiler_params=pltpu.CompilerParams(
            dimension_semantics=("arbitrary",)),
    )(q_flat, idx_col, w_aug, jnp.asarray(_RA4))


def kernel(features_t0, features_t1, codebooks, W_in, b_in, W_out, b_out):
    t0f = features_t0.reshape(B, P, D_IN)
    t1f = features_t1.reshape(B, P, D_IN)
    w_aug = jnp.concatenate([W_out, b_out[:, None]], axis=1)
    dist = _tc_encode(t0f, t1f, W_in, b_in, codebooks)
    cb_pad = jnp.concatenate(
        [codebooks, jnp.zeros((K, D_EMB), jnp.float32)], axis=1)
    idx_flat, q_pad = _sc_quantize(dist, cb_pad)
    q_flat = q_pad[:, :D_EMB]
    perp, dec = _tc_decode(q_flat, idx_flat.reshape(NT, 1), w_aug)
    return (q_flat.reshape(B, S, D_EMB), idx_flat.reshape(B, S),
            perp[0, 0], dec.reshape(B, H, W, D_IN))

# --- scband reference (transcript-rebuilt; emitter-appended) ---
"""Pipeline reference for scband-latent-space-nsvq-10771777978777 (READ-ONLY COPY).

The authoritative reference and input builder live on the scoring server;
editing this copy changes nothing except your own understanding.
"""

import jax, jax.numpy as jnp
import numpy as np

B = 64
H = 24
W = 24
D_IN = 768
D_EMB = 64
K = 1024
S = 16
GH = 4
GW = 4
EPS = 1e-12


def setup_inputs(seed: int = 0) -> dict:
    key = jax.random.key(seed)
    ks = jax.random.split(key, 8)
    features_t0 = jax.random.normal(ks[0], (B, H, W, D_IN), dtype=jnp.float32)
    features_t1 = jax.random.normal(ks[1], (B, H, W, D_IN), dtype=jnp.float32)
    codebooks = jax.random.normal(ks[2], (K, D_EMB), dtype=jnp.float32)
    lim_in = 1.0 / np.sqrt(D_IN)
    W_in = jax.random.uniform(ks[3], (D_EMB, D_IN), minval=-lim_in, maxval=lim_in, dtype=jnp.float32)
    b_in = jax.random.uniform(ks[4], (D_EMB,), minval=-lim_in, maxval=lim_in, dtype=jnp.float32)
    lim_out = 1.0 / np.sqrt(D_EMB)
    W_out = jax.random.uniform(ks[5], (D_IN, D_EMB), minval=-lim_out, maxval=lim_out, dtype=jnp.float32)
    b_out = jax.random.uniform(ks[6], (D_IN,), minval=-lim_out, maxval=lim_out, dtype=jnp.float32)
    return {"features_t0": features_t0, "features_t1": features_t1,
            "codebooks": codebooks, "W_in": W_in, "b_in": b_in,
            "W_out": W_out, "b_out": b_out}


def _encode(feats, W_in, b_in):
    # feats: [B, H, W, D_IN] -> project_in -> [B, H, W, D_EMB]
    x = feats @ W_in.T + b_in
    # b h w d -> b d h w
    x = jnp.transpose(x, (0, 3, 1, 2))
    # AdaptiveAvgPool2d((GH, GW)); H, W divisible by GH, GW -> block mean
    x = x.reshape(B, D_EMB, GH, H // GH, GW, W // GW).mean(axis=(3, 5))
    # rearrange 'b d h w -> b (h w) d'
    x = x.reshape(B, D_EMB, S)
    x = jnp.transpose(x, (0, 2, 1))
    return x  # [B, S, D_EMB]


def _quantize(encoded, codebooks):
    flat = encoded.reshape(-1, D_EMB)  # [B*S, D_EMB]
    distances = (jnp.sum(flat ** 2, axis=1, keepdims=True)
                 - 2.0 * flat @ codebooks.T
                 + jnp.sum(codebooks ** 2, axis=1)[None, :])
    min_indices = jnp.argmin(distances, axis=1)
    hard_quantized = codebooks[min_indices]  # gather [B*S, D_EMB]
    # eval-mode (training=False): quantized = hard_quantized
    encodings = jax.nn.one_hot(min_indices, K, dtype=jnp.float32)
    avg_probs = jnp.mean(encodings, axis=0)
    perplexity = jnp.exp(-jnp.sum(avg_probs * jnp.log(avg_probs + EPS)))
    quantized = hard_quantized.reshape(B, S, D_EMB)
    indices = min_indices.reshape(B, S)
    return quantized, indices, perplexity


def _decode(quantized, W_out, b_out):
    # rearrange 'b (h w) d -> b d h w'
    spatial = quantized.reshape(B, GH, GW, D_EMB)
    spatial = jnp.transpose(spatial, (0, 3, 1, 2))  # [B, D_EMB, GH, GW]
    # F.interpolate bilinear align_corners=False == jax.image.resize bilinear (half-pixel)
    up = jax.image.resize(spatial, (B, D_EMB, H, W), method='bilinear')
    up = jnp.transpose(up, (0, 2, 3, 1))  # [B, H, W, D_EMB]
    decoded = up @ W_out.T + b_out  # [B, H, W, D_IN]
    return decoded


def reference(features_t0, features_t1, codebooks, W_in, b_in, W_out, b_out):
    diff = features_t1 - features_t0
    encoded = _encode(diff, W_in, b_in)
    quantized, indices, perplexity = _quantize(encoded, codebooks)
    decoded = _decode(quantized, W_out, b_out)
    return quantized, indices, perplexity, decoded

if __name__ == "__main__":
    import jax
    _d = setup_inputs()
    print(jax.jit(kernel)(*tuple(_d.values())))

</pallas_src>

<mosaic_0001>
#map = affine_map<(d0, d1) -> (0, 0, 0)>
#map1 = affine_map<(d0, d1) -> (0, 0)>
#map2 = affine_map<(d0, d1) -> (0)>
module attributes {stable_mosaic.version = 14 : i64} {
  func.func @_sc_quant_body(%arg0: i32, %arg1: i32, %arg2: memref<32x1024x32xf32, #tpu.memory_space<hbm>>, %arg3: memref<1024x128xf32, #tpu.memory_space<hbm>>, %arg4: memref<1024xi32, #tpu.memory_space<hbm>>, %arg5: memref<1024x128xf32, #tpu.memory_space<hbm>>, %arg6: memref<256x32xf32, #tpu.memory_space<vmem>>, %arg7: memref<32xi32, #tpu.memory_space<vmem>>, %arg8: memref<32x128xf32, #tpu.memory_space<vmem>>, %arg9: memref<!tpu.dma_semaphore, #tpu.memory_space<semaphore_mem>>) attributes {dimension_semantics = [#tpu.dimension_semantics<core_parallel>, #tpu.dimension_semantics<subcore_parallel>], iteration_bounds = array<i64: 2, 16>, scalar_prefetch = 0 : i64, scratch_operands = 4 : i64, tpu.core_type = #tpu.core_type<sc_vector_subcore>, window_params = [{transform_indices = #map}, {transform_indices = #map1}, {transform_indices = #map2}, {transform_indices = #map1}]} {
    %mul3A = arith.constant 2 : i32
    %mul3A_0 = arith.muli %arg1, %mul3A : i32
    %add3A = arith.addi %mul3A_0, %arg0 : i32
    %mul3A_1 = arith.constant 32 : i32
    %mul3A_2 = arith.muli %add3A, %mul3A_1 : i32
    %broadcast_in_dim3A = arith.constant 0x7F800000 : f32
    %broadcast_in_dim3A_3 = vector.broadcast %broadcast_in_dim3A : f32 to vector<16xf32>
    %broadcast_in_dim3A_4 = arith.constant 0 : i32
    %broadcast_in_dim3A_5 = vector.broadcast %broadcast_in_dim3A_4 : i32 to vector<16xi32>
    %broadcast_in_dim3A_6 = arith.constant 0x7F800000 : f32
    %broadcast_in_dim3A_7 = vector.broadcast %broadcast_in_dim3A_6 : f32 to vector<16xf32>
    %broadcast_in_dim3A_8 = arith.constant 0 : i32
    %broadcast_in_dim3A_9 = vector.broadcast %broadcast_in_dim3A_8 : i32 to vector<16xi32>
    "tpu.region"() ({
      %run_scoped3A = tpu.sem_alloc : memref<!tpu.dma_semaphore, #tpu.memory_space<semaphore_mem>>
      %dma_start3A_68 = arith.constant 0 : i32
      %dma_start3A_69 = arith.constant 0 : i32
      %dma_start3A_70 = tpu.memref_slice %arg2[%add3A, %dma_start3A_68, %dma_start3A_69] : memref<32x1024x32xf32, #tpu.memory_space<hbm>> -> memref<1x256x32xf32, #tpu.memory_space<hbm>>
      %dma_start3A_71 = tpu.memref_squeeze %dma_start3A_70 : memref<1x256x32xf32, #tpu.memory_space<hbm>> -> memref<256x32xf32, #tpu.memory_space<hbm>>
      %dma_start3A_72 = arith.constant 0 : i32
      %dma_start3A_73 = arith.constant 0 : i32
      %dma_start3A_74 = tpu.memref_slice %arg2[%add3A, %dma_start3A_72, %dma_start3A_73] : memref<32x1024x32xf32, #tpu.memory_space<hbm>> -> memref<1x256x32xf32, #tpu.memory_space<hbm>>
      %dma_start3A_75 = tpu.memref_squeeze %dma_start3A_74 : memref<1x256x32xf32, #tpu.memory_space<hbm>> -> memref<256x32xf32, #tpu.memory_space<hbm>>
      tpu.enqueue_dma source(%dma_start3A_75 : memref<256x32xf32, #tpu.memory_space<hbm>>) target(%arg6 : memref<256x32xf32, #tpu.memory_space<vmem>>) target_semaphore(%run_scoped3A : memref<!tpu.dma_semaphore, #tpu.memory_space<semaphore_mem>>)
      %dma_wait3A_76 = arith.constant 0 : i32
      %dma_wait3A_77 = arith.constant 0 : i32
      %dma_wait3A_78 = tpu.memref_slice %arg2[%add3A, %dma_wait3A_76, %dma_wait3A_77] : memref<32x1024x32xf32, #tpu.memory_space<hbm>> -> memref<1x256x32xf32, #tpu.memory_space<hbm>>
      %dma_wait3A_79 = tpu.memref_squeeze %dma_wait3A_78 : memref<1x256x32xf32, #tpu.memory_space<hbm>> -> memref<256x32xf32, #tpu.memory_space<hbm>>
      %dma_wait3A_80 = arith.constant 0 : i32
      %dma_wait3A_81 = arith.constant 0 : i32
      %dma_wait3A_82 = tpu.memref_slice %arg2[%add3A, %dma_wait3A_80, %dma_wait3A_81] : memref<32x1024x32xf32, #tpu.memory_space<hbm>> -> memref<1x256x32xf32, #tpu.memory_space<hbm>>
      %dma_wait3A_83 = tpu.memref_squeeze %dma_wait3A_82 : memref<1x256x32xf32, #tpu.memory_space<hbm>> -> memref<256x32xf32, #tpu.memory_space<hbm>>
      tpu.wait_dma2 semaphore(%run_scoped3A : memref<!tpu.dma_semaphore, #tpu.memory_space<semaphore_mem>>) src(%dma_wait3A_83 : memref<256x32xf32, #tpu.memory_space<hbm>>) dst(%arg6 : memref<256x32xf32, #tpu.memory_space<vmem>>)
      tpu.yield
    }) : () -> ()
    %scan3A = arith.constant 0 : i32
    %scan3A_10 = arith.constant 32 : i32
    %scan3A_11 = arith.addi %scan3A, %scan3A_10 : i32
    %scan3A_12 = arith.constant 1 : i32
    %scan3A_13:2 = scf.for %scan3A_68 = %scan3A to %scan3A_11 step %scan3A_12 iter_args(%scan3A_69 = %broadcast_in_dim3A_3, %scan3A_70 = %broadcast_in_dim3A_5) -> (vector<16xf32>, vector<16xi32>)  : i32 {
      %mul3A_71 = arith.constant 8 : i32
      %mul3A_72 = arith.muli %scan3A_68, %mul3A_71 : i32
      %add3A_73 = arith.constant 0 : i32
      %add3A_74 = arith.addi %mul3A_72, %add3A_73 : i32
      %get3A = arith.index_cast %add3A_74 : i32 to index
      %get3A_75 = arith.constant 0 : index
      %get3A_76 = tpu.vector_load %arg6[%get3A, %get3A_75] {strides = array<i32>} : memref<256x32xf32, #tpu.memory_space<vmem>>, vector<1x16xf32>,
      %get3A_77 = vector.shape_cast %get3A_76 : vector<1x16xf32> to vector<16xf32>
      %lt3A = arith.cmpf olt, %get3A_77, %scan3A_69 : vector<16xf32>
      %select_n3A = arith.select %lt3A, %get3A_77, %scan3A_69 : vector<16xi1>, vector<16xf32>
      %add3A_78 = arith.constant 0 : i32
      %add3A_79 = arith.addi %add3A_78, %add3A_74 : i32
      %broadcast_in_dim3A_80 = vector.broadcast %add3A_79 : i32 to vector<16xi32>
      %select_n3A_81 = arith.select %lt3A, %broadcast_in_dim3A_80, %scan3A_70 : vector<16xi1>, vector<16xi32>
      %mul3A_82 = arith.constant 8 : i32
      %mul3A_83 = arith.muli %scan3A_68, %mul3A_82 : i32
      %add3A_84 = arith.constant 1 : i32
      %add3A_85 = arith.addi %mul3A_83, %add3A_84 : i32
      %get3A_86 = arith.index_cast %add3A_85 : i32 to index
      %get3A_87 = arith.constant 0 : index
      %get3A_88 = tpu.vector_load %arg6[%get3A_86, %get3A_87] {strides = array<i32>} : memref<256x32xf32, #tpu.memory_space<vmem>>, vector<1x16xf32>,
      %get3A_89 = vector.shape_cast %get3A_88 : vector<1x16xf32> to vector<16xf32>
      %lt3A_90 = arith.cmpf olt, %get3A_89, %select_n3A : vector<16xf32>
      %select_n3A_91 = arith.select %lt3A_90, %get3A_89, %select_n3A : vector<16xi1>, vector<16xf32>
      %add3A_92 = arith.constant 0 : i32
      %add3A_93 = arith.addi %add3A_92, %add3A_85 : i32
      %broadcast_in_dim3A_94 = vector.broadcast %add3A_93 : i32 to vector<16xi32>
      %select_n3A_95 = arith.select %lt3A_90, %broadcast_in_dim3A_94, %select_n3A_81 : vector<16xi1>, vector<16xi32>
      %mul3A_96 = arith.constant 8 : i32
      %mul3A_97 = arith.muli %scan3A_68, %mul3A_96 : i32
      %add3A_98 = arith.constant 2 : i32
      %add3A_99 = arith.addi %mul3A_97, %add3A_98 : i32
      %get3A_100 = arith.index_cast %add3A_99 : i32 to index
      %get3A_101 = arith.constant 0 : index
      %get3A_102 = tpu.vector_load %arg6[%get3A_100, %get3A_101] {strides = array<i32>} : memref<256x32xf32, #tpu.memory_space<vmem>>, vector<1x16xf32>,
      %get3A_103 = vector.shape_cast %get3A_102 : vector<1x16xf32> to vector<16xf32>
      %lt3A_104 = arith.cmpf olt, %get3A_103, %select_n3A_91 : vector<16xf32>
      %select_n3A_105 = arith.select %lt3A_104, %get3A_103, %select_n3A_91 : vector<16xi1>, vector<16xf32>
      %add3A_106 = arith.constant 0 : i32
      %add3A_107 = arith.addi %add3A_106, %add3A_99 : i32
      %broadcast_in_dim3A_108 = vector.broadcast %add3A_107 : i32 to vector<16xi32>
      %select_n3A_109 = arith.select %lt3A_104, %broadcast_in_dim3A_108, %select_n3A_95 : vector<16xi1>, vector<16xi32>
      %mul3A_110 = arith.constant 8 : i32
      %mul3A_111 = arith.muli %scan3A_68, %mul3A_110 : i32
      %add3A_112 = arith.constant 3 : i32
      %add3A_113 = arith.addi %mul3A_111, %add3A_112 : i32
      %get3A_114 = arith.index_cast %add3A_113 : i32 to index
      %get3A_115 = arith.constant 0 : index
      %get3A_116 = tpu.vector_load %arg6[%get3A_114, %get3A_115] {strides = array<i32>} : memref<256x32xf32, #tpu.memory_space<vmem>>, vector<1x16xf32>,
      %get3A_117 = vector.shape_cast %get3A_116 : vector<1x16xf32> to vector<16xf32>
      %lt3A_118 = arith.cmpf olt, %get3A_117, %select_n3A_105 : vector<16xf32>
      %select_n3A_119 = arith.select %lt3A_118, %get3A_117, %select_n3A_105 : vector<16xi1>, vector<16xf32>
      %add3A_120 = arith.constant 0 : i32
      %add3A_121 = arith.addi %add3A_120, %add3A_113 : i32
      %broadcast_in_dim3A_122 = vector.broadcast %add3A_121 : i32 to vector<16xi32>
      %select_n3A_123 = arith.select %lt3A_118, %broadcast_in_dim3A_122, %select_n3A_109 : vector<16xi1>, vector<16xi32>
      %mul3A_124 = arith.constant 8 : i32
      %mul3A_125 = arith.muli %scan3A_68, %mul3A_124 : i32
      %add3A_126 = arith.constant 4 : i32
      %add3A_127 = arith.addi %mul3A_125, %add3A_126 : i32
      %get3A_128 = arith.index_cast %add3A_127 : i32 to index
      %get3A_129 = arith.constant 0 : index
      %get3A_130 = tpu.vector_load %arg6[%get3A_128, %get3A_129] {strides = array<i32>} : memref<256x32xf32, #tpu.memory_space<vmem>>, vector<1x16xf32>,
      %get3A_131 = vector.shape_cast %get3A_130 : vector<1x16xf32> to vector<16xf32>
      %lt3A_132 = arith.cmpf olt, %get3A_131, %select_n3A_119 : vector<16xf32>
      %select_n3A_133 = arith.select %lt3A_132, %get3A_131, %select_n3A_119 : vector<16xi1>, vector<16xf32>
      %add3A_134 = arith.constant 0 : i32
      %add3A_135 = arith.addi %add3A_134, %add3A_127 : i32
      %broadcast_in_dim3A_136 = vector.broadcast %add3A_135 : i32 to vector<16xi32>
      %select_n3A_137 = arith.select %lt3A_132, %broadcast_in_dim3A_136, %select_n3A_123 : vector<16xi1>, vector<16xi32>
      %mul3A_138 = arith.constant 8 : i32
      %mul3A_139 = arith.muli %scan3A_68, %mul3A_138 : i32
      %add3A_140 = arith.constant 5 : i32
      %add3A_141 = arith.addi %mul3A_139, %add3A_140 : i32
      %get3A_142 = arith.index_cast %add3A_141 : i32 to index
      %get3A_143 = arith.constant 0 : index
      %get3A_144 = tpu.vector_load %arg6[%get3A_142, %get3A_143] {strides = array<i32>} : memref<256x32xf32, #tpu.memory_space<vmem>>, vector<1x16xf32>,
      %get3A_145 = vector.shape_cast %get3A_144 : vector<1x16xf32> to vector<16xf32>
      %lt3A_146 = arith.cmpf olt, %get3A_145, %select_n3A_133 : vector<16xf32>
      %select_n3A_147 = arith.select %lt3A_146, %get3A_145, %select_n3A_133 : vector<16xi1>, vector<16xf32>
      %add3A_148 = arith.constant 0 : i32
      %add3A_149 = arith.addi %add3A_148, %add3A_141 : i32
      %broadcast_in_dim3A_150 = vector.broadcast %add3A_149 : i32 to vector<16xi32>
      %select_n3A_151 = arith.select %lt3A_146, %broadcast_in_dim3A_150, %select_n3A_137 : vector<16xi1>, vector<16xi32>
      %mul3A_152 = arith.constant 8 : i32
      %mul3A_153 = arith.muli %scan3A_68, %mul3A_152 : i32
      %add3A_154 = arith.constant 6 : i32
      %add3A_155 = arith.addi %mul3A_153, %add3A_154 : i32
      %get3A_156 = arith.index_cast %add3A_155 : i32 to index
      %get3A_157 = arith.constant 0 : index
      %get3A_158 = tpu.vector_load %arg6[%get3A_156, %get3A_157] {strides = array<i32>} : memref<256x32xf32, #tpu.memory_space<vmem>>, vector<1x16xf32>,
      %get3A_159 = vector.shape_cast %get3A_158 : vector<1x16xf32> to vector<16xf32>
      %lt3A_160 = arith.cmpf olt, %get3A_159, %select_n3A_147 : vector<16xf32>
      %select_n3A_161 = arith.select %lt3A_160, %get3A_159, %select_n3A_147 : vector<16xi1>, vector<16xf32>
      %add3A_162 = arith.constant 0 : i32
      %add3A_163 = arith.addi %add3A_162, %add3A_155 : i32
      %broadcast_in_dim3A_164 = vector.broadcast %add3A_163 : i32 to vector<16xi32>
      %select_n3A_165 = arith.select %lt3A_160, %broadcast_in_dim3A_164, %select_n3A_151 : vector<16xi1>, vector<16xi32>
      %mul3A_166 = arith.constant 8 : i32
      %mul3A_167 = arith.muli %scan3A_68, %mul3A_166 : i32
      %add3A_168 = arith.constant 7 : i32
      %add3A_169 = arith.addi %mul3A_167, %add3A_168 : i32
      %get3A_170 = arith.index_cast %add3A_169 : i32 to index
      %get3A_171 = arith.constant 0 : index
      %get3A_172 = tpu.vector_load %arg6[%get3A_170, %get3A_171] {strides = array<i32>} : memref<256x32xf32, #tpu.memory_space<vmem>>, vector<1x16xf32>,
      %get3A_173 = vector.shape_cast %get3A_172 : vector<1x16xf32> to vector<16xf32>
      %lt3A_174 = arith.cmpf olt, %get3A_173, %select_n3A_161 : vector<16xf32>
      %select_n3A_175 = arith.select %lt3A_174, %get3A_173, %select_n3A_161 : vector<16xi1>, vector<16xf32>
      %add3A_176 = arith.constant 0 : i32
      %add3A_177 = arith.addi %add3A_176, %add3A_169 : i32
      %broadcast_in_dim3A_178 = vector.broadcast %add3A_177 : i32 to vector<16xi32>
      %select_n3A_179 = arith.select %lt3A_174, %broadcast_in_dim3A_178, %select_n3A_165 : vector<16xi1>, vector<16xi32>
      scf.yield %select_n3A_175, %select_n3A_179 : vector<16xf32>, vector<16xi32>
    }
    %scan3A_14 = arith.constant 32 : i32
    %scan3A_15 = arith.constant 0 : i32
    %scan3A_16 = arith.constant 32 : i32
    %scan3A_17 = arith.addi %scan3A_15, %scan3A_16 : i32
    %scan3A_18 = arith.constant 1 : i32
    %scan3A_19:2 = scf.for %scan3A_68 = %scan3A_15 to %scan3A_17 step %scan3A_18 iter_args(%scan3A_69 = %broadcast_in_dim3A_7, %scan3A_70 = %broadcast_in_dim3A_9) -> (vector<16xf32>, vector<16xi32>)  : i32 {
      %mul3A_71 = arith.constant 8 : i32
      %mul3A_72 = arith.muli %scan3A_68, %mul3A_71 : i32
      %add3A_73 = arith.constant 0 : i32
      %add3A_74 = arith.addi %mul3A_72, %add3A_73 : i32
      %get3A = arith.index_cast %add3A_74 : i32 to index
      %get3A_75 = arith.constant 16 : index
      %get3A_76 = tpu.vector_load %arg6[%get3A, %get3A_75] {strides = array<i32>} : memref<256x32xf32, #tpu.memory_space<vmem>>, vector<1x16xf32>,
      %get3A_77 = vector.shape_cast %get3A_76 : vector<1x16xf32> to vector<16xf32>
      %lt3A = arith.cmpf olt, %get3A_77, %scan3A_69 : vector<16xf32>
      %select_n3A = arith.select %lt3A, %get3A_77, %scan3A_69 : vector<16xi1>, vector<16xf32>
      %add3A_78 = arith.constant 0 : i32
      %add3A_79 = arith.addi %add3A_78, %add3A_74 : i32
      %broadcast_in_dim3A_80 = vector.broadcast %add3A_79 : i32 to vector<16xi32>
      %select_n3A_81 = arith.select %lt3A, %broadcast_in_dim3A_80, %scan3A_70 : vector<16xi1>, vector<16xi32>
      %mul3A_82 = arith.constant 8 : i32
      %mul3A_83 = arith.muli %scan3A_68, %mul3A_82 : i32
      %add3A_84 = arith.constant 1 : i32
      %add3A_85 = arith.addi %mul3A_83, %add3A_84 : i32
      %get3A_86 = arith.index_cast %add3A_85 : i32 to index
      %get3A_87 = arith.constant 16 : index
      %get3A_88 = tpu.vector_load %arg6[%get3A_86, %get3A_87] {strides = array<i32>} : memref<256x32xf32, #tpu.memory_space<vmem>>, vector<1x16xf32>,
      %get3A_89 = vector.shape_cast %get3A_88 : vector<1x16xf32> to vector<16xf32>
      %lt3A_90 = arith.cmpf olt, %get3A_89, %select_n3A : vector<16xf32>
      %select_n3A_91 = arith.select %lt3A_90, %get3A_89, %select_n3A : vector<16xi1>, vector<16xf32>
      %add3A_92 = arith.constant 0 : i32
      %add3A_93 = arith.addi %add3A_92, %add3A_85 : i32
      %broadcast_in_dim3A_94 = vector.broadcast %add3A_93 : i32 to vector<16xi32>
      %select_n3A_95 = arith.select %lt3A_90, %broadcast_in_dim3A_94, %select_n3A_81 : vector<16xi1>, vector<16xi32>
      %mul3A_96 = arith.constant 8 : i32
      %mul3A_97 = arith.muli %scan3A_68, %mul3A_96 : i32
      %add3A_98 = arith.constant 2 : i32
      %add3A_99 = arith.addi %mul3A_97, %add3A_98 : i32
      %get3A_100 = arith.index_cast %add3A_99 : i32 to index
      %get3A_101 = arith.constant 16 : index
      %get3A_102 = tpu.vector_load %arg6[%get3A_100, %get3A_101] {strides = array<i32>} : memref<256x32xf32, #tpu.memory_space<vmem>>, vector<1x16xf32>,
      %get3A_103 = vector.shape_cast %get3A_102 : vector<1x16xf32> to vector<16xf32>
      %lt3A_104 = arith.cmpf olt, %get3A_103, %select_n3A_91 : vector<16xf32>
      %select_n3A_105 = arith.select %lt3A_104, %get3A_103, %select_n3A_91 : vector<16xi1>, vector<16xf32>
      %add3A_106 = arith.constant 0 : i32
      %add3A_107 = arith.addi %add3A_106, %add3A_99 : i32
      %broadcast_in_dim3A_108 = vector.broadcast %add3A_107 : i32 to vector<16xi32>
      %select_n3A_109 = arith.select %lt3A_104, %broadcast_in_dim3A_108, %select_n3A_95 : vector<16xi1>, vector<16xi32>
      %mul3A_110 = arith.constant 8 : i32
      %mul3A_111 = arith.muli %scan3A_68, %mul3A_110 : i32
      %add3A_112 = arith.constant 3 : i32
      %add3A_113 = arith.addi %mul3A_111, %add3A_112 : i32
      %get3A_114 = arith.index_cast %add3A_113 : i32 to index
      %get3A_115 = arith.constant 16 : index
      %get3A_116 = tpu.vector_load %arg6[%get3A_114, %get3A_115] {strides = array<i32>} : memref<256x32xf32, #tpu.memory_space<vmem>>, vector<1x16xf32>,
      %get3A_117 = vector.shape_cast %get3A_116 : vector<1x16xf32> to vector<16xf32>
      %lt3A_118 = arith.cmpf olt, %get3A_117, %select_n3A_105 : vector<16xf32>
      %select_n3A_119 = arith.select %lt3A_118, %get3A_117, %select_n3A_105 : vector<16xi1>, vector<16xf32>
      %add3A_120 = arith.constant 0 : i32
      %add3A_121 = arith.addi %add3A_120, %add3A_113 : i32
      %broadcast_in_dim3A_122 = vector.broadcast %add3A_121 : i32 to vector<16xi32>
      %select_n3A_123 = arith.select %lt3A_118, %broadcast_in_dim3A_122, %select_n3A_109 : vector<16xi1>, vector<16xi32>
      %mul3A_124 = arith.constant 8 : i32
      %mul3A_125 = arith.muli %scan3A_68, %mul3A_124 : i32
      %add3A_126 = arith.constant 4 : i32
      %add3A_127 = arith.addi %mul3A_125, %add3A_126 : i32
      %get3A_128 = arith.index_cast %add3A_127 : i32 to index
      %get3A_129 = arith.constant 16 : index
      %get3A_130 = tpu.vector_load %arg6[%get3A_128, %get3A_129] {strides = array<i32>} : memref<256x32xf32, #tpu.memory_space<vmem>>, vector<1x16xf32>,
      %get3A_131 = vector.shape_cast %get3A_130 : vector<1x16xf32> to vector<16xf32>
      %lt3A_132 = arith.cmpf olt, %get3A_131, %select_n3A_119 : vector<16xf32>
      %select_n3A_133 = arith.select %lt3A_132, %get3A_131, %select_n3A_119 : vector<16xi1>, vector<16xf32>
      %add3A_134 = arith.constant 0 : i32
      %add3A_135 = arith.addi %add3A_134, %add3A_127 : i32
      %broadcast_in_dim3A_136 = vector.broadcast %add3A_135 : i32 to vector<16xi32>
      %select_n3A_137 = arith.select %lt3A_132, %broadcast_in_dim3A_136, %select_n3A_123 : vector<16xi1>, vector<16xi32>
      %mul3A_138 = arith.constant 8 : i32
      %mul3A_139 = arith.muli %scan3A_68, %mul3A_138 : i32
      %add3A_140 = arith.constant 5 : i32
      %add3A_141 = arith.addi %mul3A_139, %add3A_140 : i32
      %get3A_142 = arith.index_cast %add3A_141 : i32 to index
      %get3A_143 = arith.constant 16 : index
      %get3A_144 = tpu.vector_load %arg6[%get3A_142, %get3A_143] {strides = array<i32>} : memref<256x32xf32, #tpu.memory_space<vmem>>, vector<1x16xf32>,
      %get3A_145 = vector.shape_cast %get3A_144 : vector<1x16xf32> to vector<16xf32>
      %lt3A_146 = arith.cmpf olt, %get3A_145, %select_n3A_133 : vector<16xf32>
      %select_n3A_147 = arith.select %lt3A_146, %get3A_145, %select_n3A_133 : vector<16xi1>, vector<16xf32>
      %add3A_148 = arith.constant 0 : i32
      %add3A_149 = arith.addi %add3A_148, %add3A_141 : i32
      %broadcast_in_dim3A_150 = vector.broadcast %add3A_149 : i32 to vector<16xi32>
      %select_n3A_151 = arith.select %lt3A_146, %broadcast_in_dim3A_150, %select_n3A_137 : vector<16xi1>, vector<16xi32>
      %mul3A_152 = arith.constant 8 : i32
      %mul3A_153 = arith.muli %scan3A_68, %mul3A_152 : i32
      %add3A_154 = arith.constant 6 : i32
      %add3A_155 = arith.addi %mul3A_153, %add3A_154 : i32
      %get3A_156 = arith.index_cast %add3A_155 : i32 to index
      %get3A_157 = arith.constant 16 : index
      %get3A_158 = tpu.vector_load %arg6[%get3A_156, %get3A_157] {strides = array<i32>} : memref<256x32xf32, #tpu.memory_space<vmem>>, vector<1x16xf32>,
      %get3A_159 = vector.shape_cast %get3A_158 : vector<1x16xf32> to vector<16xf32>
      %lt3A_160 = arith.cmpf olt, %get3A_159, %select_n3A_147 : vector<16xf32>
      %select_n3A_161 = arith.select %lt3A_160, %get3A_159, %select_n3A_147 : vector<16xi1>, vector<16xf32>
      %add3A_162 = arith.constant 0 : i32
      %add3A_163 = arith.addi %add3A_162, %add3A_155 : i32
      %broadcast_in_dim3A_164 = vector.broadcast %add3A_163 : i32 to vector<16xi32>
      %select_n3A_165 = arith.select %lt3A_160, %broadcast_in_dim3A_164, %select_n3A_151 : vector<16xi1>, vector<16xi32>
      %mul3A_166 = arith.constant 8 : i32
      %mul3A_167 = arith.muli %scan3A_68, %mul3A_166 : i32
      %add3A_168 = arith.constant 7 : i32
      %add3A_169 = arith.addi %mul3A_167, %add3A_168 : i32
      %get3A_170 = arith.index_cast %add3A_169 : i32 to index
      %get3A_171 = arith.constant 16 : index
      %get3A_172 = tpu.vector_load %arg6[%get3A_170, %get3A_171] {strides = array<i32>} : memref<256x32xf32, #tpu.memory_space<vmem>>, vector<1x16xf32>,
      %get3A_173 = vector.shape_cast %get3A_172 : vector<1x16xf32> to vector<16xf32>
      %lt3A_174 = arith.cmpf olt, %get3A_173, %select_n3A_161 : vector<16xf32>
      %select_n3A_175 = arith.select %lt3A_174, %get3A_173, %select_n3A_161 : vector<16xi1>, vector<16xf32>
      %add3A_176 = arith.constant 0 : i32
      %add3A_177 = arith.addi %add3A_176, %add3A_169 : i32
      %broadcast_in_dim3A_178 = vector.broadcast %add3A_177 : i32 to vector<16xi32>
      %select_n3A_179 = arith.select %lt3A_174, %broadcast_in_dim3A_178, %select_n3A_165 : vector<16xi1>, vector<16xi32>
      scf.yield %select_n3A_175, %select_n3A_179 : vector<16xf32>, vector<16xi32>
    }
    %scan3A_20 = arith.constant 32 : i32
    "tpu.region"() ({
      %run_scoped3A = tpu.sem_alloc : memref<!tpu.dma_semaphore, #tpu.memory_space<semaphore_mem>>
      %dma_start3A_68 = arith.constant 256 : i32
      %dma_start3A_69 = arith.constant 0 : i32
      %dma_start3A_70 = tpu.memref_slice %arg2[%add3A, %dma_start3A_68, %dma_start3A_69] : memref<32x1024x32xf32, #tpu.memory_space<hbm>> -> memref<1x256x32xf32, #tpu.memory_space<hbm>>
      %dma_start3A_71 = tpu.memref_squeeze %dma_start3A_70 : memref<1x256x32xf32, #tpu.memory_space<hbm>> -> memref<256x32xf32, #tpu.memory_space<hbm>>
      %dma_start3A_72 = arith.constant 256 : i32
      %dma_start3A_73 = arith.constant 0 : i32
      %dma_start3A_74 = tpu.memref_slice %arg2[%add3A, %dma_start3A_72, %dma_start3A_73] : memref<32x1024x32xf32, #tpu.memory_space<hbm>> -> memref<1x256x32xf32, #tpu.memory_space<hbm>>
      %dma_start3A_75 = tpu.memref_squeeze %dma_start3A_74 : memref<1x256x32xf32, #tpu.memory_space<hbm>> -> memref<256x32xf32, #tpu.memory_space<hbm>>
      tpu.enqueue_dma source(%dma_start3A_75 : memref<256x32xf32, #tpu.memory_space<hbm>>) target(%arg6 : memref<256x32xf32, #tpu.memory_space<vmem>>) target_semaphore(%run_scoped3A : memref<!tpu.dma_semaphore, #tpu.memory_space<semaphore_mem>>)
      %dma_wait3A_76 = arith.constant 256 : i32
      %dma_wait3A_77 = arith.constant 0 : i32
      %dma_wait3A_78 = tpu.memref_slice %arg2[%add3A, %dma_wait3A_76, %dma_wait3A_77] : memref<32x1024x32xf32, #tpu.memory_space<hbm>> -> memref<1x256x32xf32, #tpu.memory_space<hbm>>
      %dma_wait3A_79 = tpu.memref_squeeze %dma_wait3A_78 : memref<1x256x32xf32, #tpu.memory_space<hbm>> -> memref<256x32xf32, #tpu.memory_space<hbm>>
      %dma_wait3A_80 = arith.constant 256 : i32
      %dma_wait3A_81 = arith.constant 0 : i32
      %dma_wait3A_82 = tpu.memref_slice %arg2[%add3A, %dma_wait3A_80, %dma_wait3A_81] : memref<32x1024x32xf32, #tpu.memory_space<hbm>> -> memref<1x256x32xf32, #tpu.memory_space<hbm>>
      %dma_wait3A_83 = tpu.memref_squeeze %dma_wait3A_82 : memref<1x256x32xf32, #tpu.memory_space<hbm>> -> memref<256x32xf32, #tpu.memory_space<hbm>>
      tpu.wait_dma2 semaphore(%run_scoped3A : memref<!tpu.dma_semaphore, #tpu.memory_space<semaphore_mem>>) src(%dma_wait3A_83 : memref<256x32xf32, #tpu.memory_space<hbm>>) dst(%arg6 : memref<256x32xf32, #tpu.memory_space<vmem>>)
      tpu.yield
    }) : () -> ()
    %scan3A_21 = arith.constant 0 : i32
    %scan3A_22 = arith.constant 32 : i32
    %scan3A_23 = arith.addi %scan3A_21, %scan3A_22 : i32
    %scan3A_24 = arith.constant 1 : i32
    %scan3A_25:2 = scf.for %scan3A_68 = %scan3A_21 to %scan3A_23 step %scan3A_24 iter_args(%scan3A_69 = %scan3A_13#0, %scan3A_70 = %scan3A_13#1) -> (vector<16xf32>, vector<16xi32>)  : i32 {
      %mul3A_71 = arith.constant 8 : i32
      %mul3A_72 = arith.muli %scan3A_68, %mul3A_71 : i32
      %add3A_73 = arith.constant 0 : i32
      %add3A_74 = arith.addi %mul3A_72, %add3A_73 : i32
      %get3A = arith.index_cast %add3A_74 : i32 to index
      %get3A_75 = arith.constant 0 : index
      %get3A_76 = tpu.vector_load %arg6[%get3A, %get3A_75] {strides = array<i32>} : memref<256x32xf32, #tpu.memory_space<vmem>>, vector<1x16xf32>,
      %get3A_77 = vector.shape_cast %get3A_76 : vector<1x16xf32> to vector<16xf32>
      %lt3A = arith.cmpf olt, %get3A_77, %scan3A_69 : vector<16xf32>
      %select_n3A = arith.select %lt3A, %get3A_77, %scan3A_69 : vector<16xi1>, vector<16xf32>
      %add3A_78 = arith.constant 256 : i32
      %add3A_79 = arith.addi %add3A_78, %add3A_74 : i32
      %broadcast_in_dim3A_80 = vector.broadcast %add3A_79 : i32 to vector<16xi32>
      %select_n3A_81 = arith.select %lt3A, %broadcast_in_dim3A_80, %scan3A_70 : vector<16xi1>, vector<16xi32>
      %mul3A_82 = arith.constant 8 : i32
      %mul3A_83 = arith.muli %scan3A_68, %mul3A_82 : i32
      %add3A_84 = arith.constant 1 : i32
      %add3A_85 = arith.addi %mul3A_83, %add3A_84 : i32
      %get3A_86 = arith.index_cast %add3A_85 : i32 to index
      %get3A_87 = arith.constant 0 : index
      %get3A_88 = tpu.vector_load %arg6[%get3A_86, %get3A_87] {strides = array<i32>} : memref<256x32xf32, #tpu.memory_space<vmem>>, vector<1x16xf32>,
      %get3A_89 = vector.shape_cast %get3A_88 : vector<1x16xf32> to vector<16xf32>
      %lt3A_90 = arith.cmpf olt, %get3A_89, %select_n3A : vector<16xf32>
      %select_n3A_91 = arith.select %lt3A_90, %get3A_89, %select_n3A : vector<16xi1>, vector<16xf32>
      %add3A_92 = arith.constant 256 : i32
      %add3A_93 = arith.addi %add3A_92, %add3A_85 : i32
      %broadcast_in_dim3A_94 = vector.broadcast %add3A_93 : i32 to vector<16xi32>
      %select_n3A_95 = arith.select %lt3A_90, %broadcast_in_dim3A_94, %select_n3A_81 : vector<16xi1>, vector<16xi32>
      %mul3A_96 = arith.constant 8 : i32
      %mul3A_97 = arith.muli %scan3A_68, %mul3A_96 : i32
      %add3A_98 = arith.constant 2 : i32
      %add3A_99 = arith.addi %mul3A_97, %add3A_98 : i32
      %get3A_100 = arith.index_cast %add3A_99 : i32 to index
      %get3A_101 = arith.constant 0 : index
      %get3A_102 = tpu.vector_load %arg6[%get3A_100, %get3A_101] {strides = array<i32>} : memref<256x32xf32, #tpu.memory_space<vmem>>, vector<1x16xf32>,
      %get3A_103 = vector.shape_cast %get3A_102 : vector<1x16xf32> to vector<16xf32>
      %lt3A_104 = arith.cmpf olt, %get3A_103, %select_n3A_91 : vector<16xf32>
      %select_n3A_105 = arith.select %lt3A_104, %get3A_103, %select_n3A_91 : vector<16xi1>, vector<16xf32>
      %add3A_106 = arith.constant 256 : i32
      %add3A_107 = arith.addi %add3A_106, %add3A_99 : i32
      %broadcast_in_dim3A_108 = vector.broadcast %add3A_107 : i32 to vector<16xi32>
      %select_n3A_109 = arith.select %lt3A_104, %broadcast_in_dim3A_108, %select_n3A_95 : vector<16xi1>, vector<16xi32>
      %mul3A_110 = arith.constant 8 : i32
      %mul3A_111 = arith.muli %scan3A_68, %mul3A_110 : i32
      %add3A_112 = arith.constant 3 : i32
      %add3A_113 = arith.addi %mul3A_111, %add3A_112 : i32
      %get3A_114 = arith.index_cast %add3A_113 : i32 to index
      %get3A_115 = arith.constant 0 : index
      %get3A_116 = tpu.vector_load %arg6[%get3A_114, %get3A_115] {strides = array<i32>} : memref<256x32xf32, #tpu.memory_space<vmem>>, vector<1x16xf32>,
      %get3A_117 = vector.shape_cast %get3A_116 : vector<1x16xf32> to vector<16xf32>
      %lt3A_118 = arith.cmpf olt, %get3A_117, %select_n3A_105 : vector<16xf32>
      %select_n3A_119 = arith.select %lt3A_118, %get3A_117, %select_n3A_105 : vector<16xi1>, vector<16xf32>
      %add3A_120 = arith.constant 256 : i32
      %add3A_121 = arith.addi %add3A_120, %add3A_113 : i32
      %broadcast_in_dim3A_122 = vector.broadcast %add3A_121 : i32 to vector<16xi32>
      %select_n3A_123 = arith.select %lt3A_118, %broadcast_in_dim3A_122, %select_n3A_109 : vector<16xi1>, vector<16xi32>
      %mul3A_124 = arith.constant 8 : i32
      %mul3A_125 = arith.muli %scan3A_68, %mul3A_124 : i32
      %add3A_126 = arith.constant 4 : i32
      %add3A_127 = arith.addi %mul3A_125, %add3A_126 : i32
      %get3A_128 = arith.index_cast %add3A_127 : i32 to index
      %get3A_129 = arith.constant 0 : index
      %get3A_130 = tpu.vector_load %arg6[%get3A_128, %get3A_129] {strides = array<i32>} : memref<256x32xf32, #tpu.memory_space<vmem>>, vector<1x16xf32>,
      %get3A_131 = vector.shape_cast %get3A_130 : vector<1x16xf32> to vector<16xf32>
      %lt3A_132 = arith.cmpf olt, %get3A_131, %select_n3A_119 : vector<16xf32>
      %select_n3A_133 = arith.select %lt3A_132, %get3A_131, %select_n3A_119 : vector<16xi1>, vector<16xf32>
      %add3A_134 = arith.constant 256 : i32
      %add3A_135 = arith.addi %add3A_134, %add3A_127 : i32
      %broadcast_in_dim3A_136 = vector.broadcast %add3A_135 : i32 to vector<16xi32>
      %select_n3A_137 = arith.select %lt3A_132, %broadcast_in_dim3A_136, %select_n3A_123 : vector<16xi1>, vector<16xi32>
      %mul3A_138 = arith.constant 8 : i32
      %mul3A_139 = arith.muli %scan3A_68, %mul3A_138 : i32
      %add3A_140 = arith.constant 5 : i32
      %add3A_141 = arith.addi %mul3A_139, %add3A_140 : i32
      %get3A_142 = arith.index_cast %add3A_141 : i32 to index
      %get3A_143 = arith.constant 0 : index
      %get3A_144 = tpu.vector_load %arg6[%get3A_142, %get3A_143] {strides = array<i32>} : memref<256x32xf32, #tpu.memory_space<vmem>>, vector<1x16xf32>,
      %get3A_145 = vector.shape_cast %get3A_144 : vector<1x16xf32> to vector<16xf32>
      %lt3A_146 = arith.cmpf olt, %get3A_145, %select_n3A_133 : vector<16xf32>
      %select_n3A_147 = arith.select %lt3A_146, %get3A_145, %select_n3A_133 : vector<16xi1>, vector<16xf32>
      %add3A_148 = arith.constant 256 : i32
      %add3A_149 = arith.addi %add3A_148, %add3A_141 : i32
      %broadcast_in_dim3A_150 = vector.broadcast %add3A_149 : i32 to vector<16xi32>
      %select_n3A_151 = arith.select %lt3A_146, %broadcast_in_dim3A_150, %select_n3A_137 : vector<16xi1>, vector<16xi32>
      %mul3A_152 = arith.constant 8 : i32
      %mul3A_153 = arith.muli %scan3A_68, %mul3A_152 : i32
      %add3A_154 = arith.constant 6 : i32
      %add3A_155 = arith.addi %mul3A_153, %add3A_154 : i32
      %get3A_156 = arith.index_cast %add3A_155 : i32 to index
      %get3A_157 = arith.constant 0 : index
      %get3A_158 = tpu.vector_load %arg6[%get3A_156, %get3A_157] {strides = array<i32>} : memref<256x32xf32, #tpu.memory_space<vmem>>, vector<1x16xf32>,
      %get3A_159 = vector.shape_cast %get3A_158 : vector<1x16xf32> to vector<16xf32>
      %lt3A_160 = arith.cmpf olt, %get3A_159, %select_n3A_147 : vector<16xf32>
      %select_n3A_161 = arith.select %lt3A_160, %get3A_159, %select_n3A_147 : vector<16xi1>, vector<16xf32>
      %add3A_162 = arith.constant 256 : i32
      %add3A_163 = arith.addi %add3A_162, %add3A_155 : i32
      %broadcast_in_dim3A_164 = vector.broadcast %add3A_163 : i32 to vector<16xi32>
      %select_n3A_165 = arith.select %lt3A_160, %broadcast_in_dim3A_164, %select_n3A_151 : vector<16xi1>, vector<16xi32>
      %mul3A_166 = arith.constant 8 : i32
      %mul3A_167 = arith.muli %scan3A_68, %mul3A_166 : i32
      %add3A_168 = arith.constant 7 : i32
      %add3A_169 = arith.addi %mul3A_167, %add3A_168 : i32
      %get3A_170 = arith.index_cast %add3A_169 : i32 to index
      %get3A_171 = arith.constant 0 : index
      %get3A_172 = tpu.vector_load %arg6[%get3A_170, %get3A_171] {strides = array<i32>} : memref<256x32xf32, #tpu.memory_space<vmem>>, vector<1x16xf32>,
      %get3A_173 = vector.shape_cast %get3A_172 : vector<1x16xf32> to vector<16xf32>
      %lt3A_174 = arith.cmpf olt, %get3A_173, %select_n3A_161 : vector<16xf32>
      %select_n3A_175 = arith.select %lt3A_174, %get3A_173, %select_n3A_161 : vector<16xi1>, vector<16xf32>
      %add3A_176 = arith.constant 256 : i32
      %add3A_177 = arith.addi %add3A_176, %add3A_169 : i32
      %broadcast_in_dim3A_178 = vector.broadcast %add3A_177 : i32 to vector<16xi32>
      %select_n3A_179 = arith.select %lt3A_174, %broadcast_in_dim3A_178, %select_n3A_165 : vector<16xi1>, vector<16xi32>
      scf.yield %select_n3A_175, %select_n3A_179 : vector<16xf32>, vector<16xi32>
    }
    %scan3A_26 = arith.constant 32 : i32
    %scan3A_27 = arith.constant 0 : i32
    %scan3A_28 = arith.constant 32 : i32
    %scan3A_29 = arith.addi %scan3A_27, %scan3A_28 : i32
    %scan3A_30 = arith.constant 1 : i32
    %scan3A_31:2 = scf.for %scan3A_68 = %scan3A_27 to %scan3A_29 step %scan3A_30 iter_args(%scan3A_69 = %scan3A_19#0, %scan3A_70 = %scan3A_19#1) -> (vector<16xf32>, vector<16xi32>)  : i32 {
      %mul3A_71 = arith.constant 8 : i32
      %mul3A_72 = arith.muli %scan3A_68, %mul3A_71 : i32
      %add3A_73 = arith.constant 0 : i32
      %add3A_74 = arith.addi %mul3A_72, %add3A_73 : i32
      %get3A = arith.index_cast %add3A_74 : i32 to index
      %get3A_75 = arith.constant 16 : index
      %get3A_76 = tpu.vector_load %arg6[%get3A, %get3A_75] {strides = array<i32>} : memref<256x32xf32, #tpu.memory_space<vmem>>, vector<1x16xf32>,
      %get3A_77 = vector.shape_cast %get3A_76 : vector<1x16xf32> to vector<16xf32>
      %lt3A = arith.cmpf olt, %get3A_77, %scan3A_69 : vector<16xf32>
      %select_n3A = arith.select %lt3A, %get3A_77, %scan3A_69 : vector<16xi1>, vector<16xf32>
      %add3A_78 = arith.constant 256 : i32
      %add3A_79 = arith.addi %add3A_78, %add3A_74 : i32
      %broadcast_in_dim3A_80 = vector.broadcast %add3A_79 : i32 to vector<16xi32>
      %select_n3A_81 = arith.select %lt3A, %broadcast_in_dim3A_80, %scan3A_70 : vector<16xi1>, vector<16xi32>
      %mul3A_82 = arith.constant 8 : i32
      %mul3A_83 = arith.muli %scan3A_68, %mul3A_82 : i32
      %add3A_84 = arith.constant 1 : i32
      %add3A_85 = arith.addi %mul3A_83, %add3A_84 : i32
      %get3A_86 = arith.index_cast %add3A_85 : i32 to index
      %get3A_87 = arith.constant 16 : index
      %get3A_88 = tpu.vector_load %arg6[%get3A_86, %get3A_87] {strides = array<i32>} : memref<256x32xf32, #tpu.memory_space<vmem>>, vector<1x16xf32>,
      %get3A_89 = vector.shape_cast %get3A_88 : vector<1x16xf32> to vector<16xf32>
      %lt3A_90 = arith.cmpf olt, %get3A_89, %select_n3A : vector<16xf32>
      %select_n3A_91 = arith.select %lt3A_90, %get3A_89, %select_n3A : vector<16xi1>, vector<16xf32>
      %add3A_92 = arith.constant 256 : i32
      %add3A_93 = arith.addi %add3A_92, %add3A_85 : i32
      %broadcast_in_dim3A_94 = vector.broadcast %add3A_93 : i32 to vector<16xi32>
      %select_n3A_95 = arith.select %lt3A_90, %broadcast_in_dim3A_94, %select_n3A_81 : vector<16xi1>, vector<16xi32>
      %mul3A_96 = arith.constant 8 : i32
      %mul3A_97 = arith.muli %scan3A_68, %mul3A_96 : i32
      %add3A_98 = arith.constant 2 : i32
      %add3A_99 = arith.addi %mul3A_97, %add3A_98 : i32
      %get3A_100 = arith.index_cast %add3A_99 : i32 to index
      %get3A_101 = arith.constant 16 : index
      %get3A_102 = tpu.vector_load %arg6[%get3A_100, %get3A_101] {strides = array<i32>} : memref<256x32xf32, #tpu.memory_space<vmem>>, vector<1x16xf32>,
      %get3A_103 = vector.shape_cast %get3A_102 : vector<1x16xf32> to vector<16xf32>
      %lt3A_104 = arith.cmpf olt, %get3A_103, %select_n3A_91 : vector<16xf32>
      %select_n3A_105 = arith.select %lt3A_104, %get3A_103, %select_n3A_91 : vector<16xi1>, vector<16xf32>
      %add3A_106 = arith.constant 256 : i32
      %add3A_107 = arith.addi %add3A_106, %add3A_99 : i32
      %broadcast_in_dim3A_108 = vector.broadcast %add3A_107 : i32 to vector<16xi32>
      %select_n3A_109 = arith.select %lt3A_104, %broadcast_in_dim3A_108, %select_n3A_95 : vector<16xi1>, vector<16xi32>
      %mul3A_110 = arith.constant 8 : i32
      %mul3A_111 = arith.muli %scan3A_68, %mul3A_110 : i32
      %add3A_112 = arith.constant 3 : i32
      %add3A_113 = arith.addi %mul3A_111, %add3A_112 : i32
      %get3A_114 = arith.index_cast %add3A_113 : i32 to index
      %get3A_115 = arith.constant 16 : index
      %get3A_116 = tpu.vector_load %arg6[%get3A_114, %get3A_115] {strides = array<i32>} : memref<256x32xf32, #tpu.memory_space<vmem>>, vector<1x16xf32>,
      %get3A_117 = vector.shape_cast %get3A_116 : vector<1x16xf32> to vector<16xf32>
      %lt3A_118 = arith.cmpf olt, %get3A_117, %select_n3A_105 : vector<16xf32>
      %select_n3A_119 = arith.select %lt3A_118, %get3A_117, %select_n3A_105 : vector<16xi1>, vector<16xf32>
      %add3A_120 = arith.constant 256 : i32
      %add3A_121 = arith.addi %add3A_120, %add3A_113 : i32
      %broadcast_in_dim3A_122 = vector.broadcast %add3A_121 : i32 to vector<16xi32>
      %select_n3A_123 = arith.select %lt3A_118, %broadcast_in_dim3A_122, %select_n3A_109 : vector<16xi1>, vector<16xi32>
      %mul3A_124 = arith.constant 8 : i32
      %mul3A_125 = arith.muli %scan3A_68, %mul3A_124 : i32
      %add3A_126 = arith.constant 4 : i32
      %add3A_127 = arith.addi %mul3A_125, %add3A_126 : i32
      %get3A_128 = arith.index_cast %add3A_127 : i32 to index
      %get3A_129 = arith.constant 16 : index
      %get3A_130 = tpu.vector_load %arg6[%get3A_128, %get3A_129] {strides = array<i32>} : memref<256x32xf32, #tpu.memory_space<vmem>>, vector<1x16xf32>,
      %get3A_131 = vector.shape_cast %get3A_130 : vector<1x16xf32> to vector<16xf32>
      %lt3A_132 = arith.cmpf olt, %get3A_131, %select_n3A_119 : vector<16xf32>
      %select_n3A_133 = arith.select %lt3A_132, %get3A_131, %select_n3A_119 : vector<16xi1>, vector<16xf32>
      %add3A_134 = arith.constant 256 : i32
      %add3A_135 = arith.addi %add3A_134, %add3A_127 : i32
      %broadcast_in_dim3A_136 = vector.broadcast %add3A_135 : i32 to vector<16xi32>
      %select_n3A_137 = arith.select %lt3A_132, %broadcast_in_dim3A_136, %select_n3A_123 : vector<16xi1>, vector<16xi32>
      %mul3A_138 = arith.constant 8 : i32
      %mul3A_139 = arith.muli %scan3A_68, %mul3A_138 : i32
      %add3A_140 = arith.constant 5 : i32
      %add3A_141 = arith.addi %mul3A_139, %add3A_140 : i32
      %get3A_142 = arith.index_cast %add3A_141 : i32 to index
      %get3A_143 = arith.constant 16 : index
      %get3A_144 = tpu.vector_load %arg6[%get3A_142, %get3A_143] {strides = array<i32>} : memref<256x32xf32, #tpu.memory_space<vmem>>, vector<1x16xf32>,
      %get3A_145 = vector.shape_cast %get3A_144 : vector<1x16xf32> to vector<16xf32>
      %lt3A_146 = arith.cmpf olt, %get3A_145, %select_n3A_133 : vector<16xf32>
      %select_n3A_147 = arith.select %lt3A_146, %get3A_145, %select_n3A_133 : vector<16xi1>, vector<16xf32>
      %add3A_148 = arith.constant 256 : i32
      %add3A_149 = arith.addi %add3A_148, %add3A_141 : i32
      %broadcast_in_dim3A_150 = vector.broadcast %add3A_149 : i32 to vector<16xi32>
      %select_n3A_151 = arith.select %lt3A_146, %broadcast_in_dim3A_150, %select_n3A_137 : vector<16xi1>, vector<16xi32>
      %mul3A_152 = arith.constant 8 : i32
      %mul3A_153 = arith.muli %scan3A_68, %mul3A_152 : i32
      %add3A_154 = arith.constant 6 : i32
      %add3A_155 = arith.addi %mul3A_153, %add3A_154 : i32
      %get3A_156 = arith.index_cast %add3A_155 : i32 to index
      %get3A_157 = arith.constant 16 : index
      %get3A_158 = tpu.vector_load %arg6[%get3A_156, %get3A_157] {strides = array<i32>} : memref<256x32xf32, #tpu.memory_space<vmem>>, vector<1x16xf32>,
      %get3A_159 = vector.shape_cast %get3A_158 : vector<1x16xf32> to vector<16xf32>
      %lt3A_160 = arith.cmpf olt, %get3A_159, %select_n3A_147 : vector<16xf32>
      %select_n3A_161 = arith.select %lt3A_160, %get3A_159, %select_n3A_147 : vector<16xi1>, vector<16xf32>
      %add3A_162 = arith.constant 256 : i32
      %add3A_163 = arith.addi %add3A_162, %add3A_155 : i32
      %broadcast_in_dim3A_164 = vector.broadcast %add3A_163 : i32 to vector<16xi32>
      %select_n3A_165 = arith.select %lt3A_160, %broadcast_in_dim3A_164, %select_n3A_151 : vector<16xi1>, vector<16xi32>
      %mul3A_166 = arith.constant 8 : i32
      %mul3A_167 = arith.muli %scan3A_68, %mul3A_166 : i32
      %add3A_168 = arith.constant 7 : i32
      %add3A_169 = arith.addi %mul3A_167, %add3A_168 : i32
      %get3A_170 = arith.index_cast %add3A_169 : i32 to index
      %get3A_171 = arith.constant 16 : index
      %get3A_172 = tpu.vector_load %arg6[%get3A_170, %get3A_171] {strides = array<i32>} : memref<256x32xf32, #tpu.memory_space<vmem>>, vector<1x16xf32>,
      %get3A_173 = vector.shape_cast %get3A_172 : vector<1x16xf32> to vector<16xf32>
      %lt3A_174 = arith.cmpf olt, %get3A_173, %select_n3A_161 : vector<16xf32>
      %select_n3A_175 = arith.select %lt3A_174, %get3A_173, %select_n3A_161 : vector<16xi1>, vector<16xf32>
      %add3A_176 = arith.constant 256 : i32
      %add3A_177 = arith.addi %add3A_176, %add3A_169 : i32
      %broadcast_in_dim3A_178 = vector.broadcast %add3A_177 : i32 to vector<16xi32>
      %select_n3A_179 = arith.select %lt3A_174, %broadcast_in_dim3A_178, %select_n3A_165 : vector<16xi1>, vector<16xi32>
      scf.yield %select_n3A_175, %select_n3A_179 : vector<16xf32>, vector<16xi32>
    }
    %scan3A_32 = arith.constant 32 : i32
    "tpu.region"() ({
      %run_scoped3A = tpu.sem_alloc : memref<!tpu.dma_semaphore, #tpu.memory_space<semaphore_mem>>
      %dma_start3A_68 = arith.constant 512 : i32
      %dma_start3A_69 = arith.constant 0 : i32
      %dma_start3A_70 = tpu.memref_slice %arg2[%add3A, %dma_start3A_68, %dma_start3A_69] : memref<32x1024x32xf32, #tpu.memory_space<hbm>> -> memref<1x256x32xf32, #tpu.memory_space<hbm>>
      %dma_start3A_71 = tpu.memref_squeeze %dma_start3A_70 : memref<1x256x32xf32, #tpu.memory_space<hbm>> -> memref<256x32xf32, #tpu.memory_space<hbm>>
      %dma_start3A_72 = arith.constant 512 : i32
      %dma_start3A_73 = arith.constant 0 : i32
      %dma_start3A_74 = tpu.memref_slice %arg2[%add3A, %dma_start3A_72, %dma_start3A_73] : memref<32x1024x32xf32, #tpu.memory_space<hbm>> -> memref<1x256x32xf32, #tpu.memory_space<hbm>>
      %dma_start3A_75 = tpu.memref_squeeze %dma_start3A_74 : memref<1x256x32xf32, #tpu.memory_space<hbm>> -> memref<256x32xf32, #tpu.memory_space<hbm>>
      tpu.enqueue_dma source(%dma_start3A_75 : memref<256x32xf32, #tpu.memory_space<hbm>>) target(%arg6 : memref<256x32xf32, #tpu.memory_space<vmem>>) target_semaphore(%run_scoped3A : memref<!tpu.dma_semaphore, #tpu.memory_space<semaphore_mem>>)
      %dma_wait3A_76 = arith.constant 512 : i32
      %dma_wait3A_77 = arith.constant 0 : i32
      %dma_wait3A_78 = tpu.memref_slice %arg2[%add3A, %dma_wait3A_76, %dma_wait3A_77] : memref<32x1024x32xf32, #tpu.memory_space<hbm>> -> memref<1x256x32xf32, #tpu.memory_space<hbm>>
      %dma_wait3A_79 = tpu.memref_squeeze %dma_wait3A_78 : memref<1x256x32xf32, #tpu.memory_space<hbm>> -> memref<256x32xf32, #tpu.memory_space<hbm>>
      %dma_wait3A_80 = arith.constant 512 : i32
      %dma_wait3A_81 = arith.constant 0 : i32
      %dma_wait3A_82 = tpu.memref_slice %arg2[%add3A, %dma_wait3A_80, %dma_wait3A_81] : memref<32x1024x32xf32, #tpu.memory_space<hbm>> -> memref<1x256x32xf32, #tpu.memory_space<hbm>>
      %dma_wait3A_83 = tpu.memref_squeeze %dma_wait3A_82 : memref<1x256x32xf32, #tpu.memory_space<hbm>> -> memref<256x32xf32, #tpu.memory_space<hbm>>
      tpu.wait_dma2 semaphore(%run_scoped3A : memref<!tpu.dma_semaphore, #tpu.memory_space<semaphore_mem>>) src(%dma_wait3A_83 : memref<256x32xf32, #tpu.memory_space<hbm>>) dst(%arg6 : memref<256x32xf32, #tpu.memory_space<vmem>>)
      tpu.yield
    }) : () -> ()
    %scan3A_33 = arith.constant 0 : i32
    %scan3A_34 = arith.constant 32 : i32
    %scan3A_35 = arith.addi %scan3A_33, %scan3A_34 : i32
    %scan3A_36 = arith.constant 1 : i32
    %scan3A_37:2 = scf.for %scan3A_68 = %scan3A_33 to %scan3A_35 step %scan3A_36 iter_args(%scan3A_69 = %scan3A_25#0, %scan3A_70 = %scan3A_25#1) -> (vector<16xf32>, vector<16xi32>)  : i32 {
      %mul3A_71 = arith.constant 8 : i32
      %mul3A_72 = arith.muli %scan3A_68, %mul3A_71 : i32
      %add3A_73 = arith.constant 0 : i32
      %add3A_74 = arith.addi %mul3A_72, %add3A_73 : i32
      %get3A = arith.index_cast %add3A_74 : i32 to index
      %get3A_75 = arith.constant 0 : index
      %get3A_76 = tpu.vector_load %arg6[%get3A, %get3A_75] {strides = array<i32>} : memref<256x32xf32, #tpu.memory_space<vmem>>, vector<1x16xf32>,
      %get3A_77 = vector.shape_cast %get3A_76 : vector<1x16xf32> to vector<16xf32>
      %lt3A = arith.cmpf olt, %get3A_77, %scan3A_69 : vector<16xf32>
      %select_n3A = arith.select %lt3A, %get3A_77, %scan3A_69 : vector<16xi1>, vector<16xf32>
      %add3A_78 = arith.constant 512 : i32
      %add3A_79 = arith.addi %add3A_78, %add3A_74 : i32
      %broadcast_in_dim3A_80 = vector.broadcast %add3A_79 : i32 to vector<16xi32>
      %select_n3A_81 = arith.select %lt3A, %broadcast_in_dim3A_80, %scan3A_70 : vector<16xi1>, vector<16xi32>
      %mul3A_82 = arith.constant 8 : i32
      %mul3A_83 = arith.muli %scan3A_68, %mul3A_82 : i32
      %add3A_84 = arith.constant 1 : i32
      %add3A_85 = arith.addi %mul3A_83, %add3A_84 : i32
      %get3A_86 = arith.index_cast %add3A_85 : i32 to index
      %get3A_87 = arith.constant 0 : index
      %get3A_88 = tpu.vector_load %arg6[%get3A_86, %get3A_87] {strides = array<i32>} : memref<256x32xf32, #tpu.memory_space<vmem>>, vector<1x16xf32>,
      %get3A_89 = vector.shape_cast %get3A_88 : vector<1x16xf32> to vector<16xf32>
      %lt3A_90 = arith.cmpf olt, %get3A_89, %select_n3A : vector<16xf32>
      %select_n3A_91 = arith.select %lt3A_90, %get3A_89, %select_n3A : vector<16xi1>, vector<16xf32>
      %add3A_92 = arith.constant 512 : i32
      %add3A_93 = arith.addi %add3A_92, %add3A_85 : i32
      %broadcast_in_dim3A_94 = vector.broadcast %add3A_93 : i32 to vector<16xi32>
      %select_n3A_95 = arith.select %lt3A_90, %broadcast_in_dim3A_94, %select_n3A_81 : vector<16xi1>, vector<16xi32>
      %mul3A_96 = arith.constant 8 : i32
      %mul3A_97 = arith.muli %scan3A_68, %mul3A_96 : i32
      %add3A_98 = arith.constant 2 : i32
      %add3A_99 = arith.addi %mul3A_97, %add3A_98 : i32
      %get3A_100 = arith.index_cast %add3A_99 : i32 to index
      %get3A_101 = arith.constant 0 : index
      %get3A_102 = tpu.vector_load %arg6[%get3A_100, %get3A_101] {strides = array<i32>} : memref<256x32xf32, #tpu.memory_space<vmem>>, vector<1x16xf32>,
      %get3A_103 = vector.shape_cast %get3A_102 : vector<1x16xf32> to vector<16xf32>
      %lt3A_104 = arith.cmpf olt, %get3A_103, %select_n3A_91 : vector<16xf32>
      %select_n3A_105 = arith.select %lt3A_104, %get3A_103, %select_n3A_91 : vector<16xi1>, vector<16xf32>
      %add3A_106 = arith.constant 512 : i32
      %add3A_107 = arith.addi %add3A_106, %add3A_99 : i32
      %broadcast_in_dim3A_108 = vector.broadcast %add3A_107 : i32 to vector<16xi32>
      %select_n3A_109 = arith.select %lt3A_104, %broadcast_in_dim3A_108, %select_n3A_95 : vector<16xi1>, vector<16xi32>
      %mul3A_110 = arith.constant 8 : i32
      %mul3A_111 = arith.muli %scan3A_68, %mul3A_110 : i32
      %add3A_112 = arith.constant 3 : i32
      %add3A_113 = arith.addi %mul3A_111, %add3A_112 : i32
      %get3A_114 = arith.index_cast %add3A_113 : i32 to index
      %get3A_115 = arith.constant 0 : index
      %get3A_116 = tpu.vector_load %arg6[%get3A_114, %get3A_115] {strides = array<i32>} : memref<256x32xf32, #tpu.memory_space<vmem>>, vector<1x16xf32>,
      %get3A_117 = vector.shape_cast %get3A_116 : vector<1x16xf32> to vector<16xf32>
      %lt3A_118 = arith.cmpf olt, %get3A_117, %select_n3A_105 : vector<16xf32>
      %select_n3A_119 = arith.select %lt3A_118, %get3A_117, %select_n3A_105 : vector<16xi1>, vector<16xf32>
      %add3A_120 = arith.constant 512 : i32
      %add3A_121 = arith.addi %add3A_120, %add3A_113 : i32
      %broadcast_in_dim3A_122 = vector.broadcast %add3A_121 : i32 to vector<16xi32>
      %select_n3A_123 = arith.select %lt3A_118, %broadcast_in_dim3A_122, %select_n3A_109 : vector<16xi1>, vector<16xi32>
      %mul3A_124 = arith.constant 8 : i32
      %mul3A_125 = arith.muli %scan3A_68, %mul3A_124 : i32
      %add3A_126 = arith.constant 4 : i32
      %add3A_127 = arith.addi %mul3A_125, %add3A_126 : i32
      %get3A_128 = arith.index_cast %add3A_127 : i32 to index
      %get3A_129 = arith.constant 0 : index
      %get3A_130 = tpu.vector_load %arg6[%get3A_128, %get3A_129] {strides = array<i32>} : memref<256x32xf32, #tpu.memory_space<vmem>>, vector<1x16xf32>,
      %get3A_131 = vector.shape_cast %get3A_130 : vector<1x16xf32> to vector<16xf32>
      %lt3A_132 = arith.cmpf olt, %get3A_131, %select_n3A_119 : vector<16xf32>
      %select_n3A_133 = arith.select %lt3A_132, %get3A_131, %select_n3A_119 : vector<16xi1>, vector<16xf32>
      %add3A_134 = arith.constant 512 : i32
      %add3A_135 = arith.addi %add3A_134, %add3A_127 : i32
      %broadcast_in_dim3A_136 = vector.broadcast %add3A_135 : i32 to vector<16xi32>
      %select_n3A_137 = arith.select %lt3A_132, %broadcast_in_dim3A_136, %select_n3A_123 : vector<16xi1>, vector<16xi32>
      %mul3A_138 = arith.constant 8 : i32
      %mul3A_139 = arith.muli %scan3A_68, %mul3A_138 : i32
      %add3A_140 = arith.constant 5 : i32
      %add3A_141 = arith.addi %mul3A_139, %add3A_140 : i32
      %get3A_142 = arith.index_cast %add3A_141 : i32 to index
      %get3A_143 = arith.constant 0 : index
      %get3A_144 = tpu.vector_load %arg6[%get3A_142, %get3A_143] {strides = array<i32>} : memref<256x32xf32, #tpu.memory_space<vmem>>, vector<1x16xf32>,
      %get3A_145 = vector.shape_cast %get3A_144 : vector<1x16xf32> to vector<16xf32>
      %lt3A_146 = arith.cmpf olt, %get3A_145, %select_n3A_133 : vector<16xf32>
      %select_n3A_147 = arith.select %lt3A_146, %get3A_145, %select_n3A_133 : vector<16xi1>, vector<16xf32>
      %add3A_148 = arith.constant 512 : i32
      %add3A_149 = arith.addi %add3A_148, %add3A_141 : i32
      %broadcast_in_dim3A_150 = vector.broadcast %add3A_149 : i32 to vector<16xi32>
      %select_n3A_151 = arith.select %lt3A_146, %broadcast_in_dim3A_150, %select_n3A_137 : vector<16xi1>, vector<16xi32>
      %mul3A_152 = arith.constant 8 : i32
      %mul3A_153 = arith.muli %scan3A_68, %mul3A_152 : i32
      %add3A_154 = arith.constant 6 : i32
      %add3A_155 = arith.addi %mul3A_153, %add3A_154 : i32
      %get3A_156 = arith.index_cast %add3A_155 : i32 to index
      %get3A_157 = arith.constant 0 : index
      %get3A_158 = tpu.vector_load %arg6[%get3A_156, %get3A_157] {strides = array<i32>} : memref<256x32xf32, #tpu.memory_space<vmem>>, vector<1x16xf32>,
      %get3A_159 = vector.shape_cast %get3A_158 : vector<1x16xf32> to vector<16xf32>
      %lt3A_160 = arith.cmpf olt, %get3A_159, %select_n3A_147 : vector<16xf32>
      %select_n3A_161 = arith.select %lt3A_160, %get3A_159, %select_n3A_147 : vector<16xi1>, vector<16xf32>
      %add3A_162 = arith.constant 512 : i32
      %add3A_163 = arith.addi %add3A_162, %add3A_155 : i32
      %broadcast_in_dim3A_164 = vector.broadcast %add3A_163 : i32 to vector<16xi32>
      %select_n3A_165 = arith.select %lt3A_160, %broadcast_in_dim3A_164, %select_n3A_151 : vector<16xi1>, vector<16xi32>
      %mul3A_166 = arith.constant 8 : i32
      %mul3A_167 = arith.muli %scan3A_68, %mul3A_166 : i32
      %add3A_168 = arith.constant 7 : i32
      %add3A_169 = arith.addi %mul3A_167, %add3A_168 : i32
      %get3A_170 = arith.index_cast %add3A_169 : i32 to index
      %get3A_171 = arith.constant 0 : index
      %get3A_172 = tpu.vector_load %arg6[%get3A_170, %get3A_171] {strides = array<i32>} : memref<256x32xf32, #tpu.memory_space<vmem>>, vector<1x16xf32>,
      %get3A_173 = vector.shape_cast %get3A_172 : vector<1x16xf32> to vector<16xf32>
      %lt3A_174 = arith.cmpf olt, %get3A_173, %select_n3A_161 : vector<16xf32>
      %select_n3A_175 = arith.select %lt3A_174, %get3A_173, %select_n3A_161 : vector<16xi1>, vector<16xf32>
      %add3A_176 = arith.constant 512 : i32
      %add3A_177 = arith.addi %add3A_176, %add3A_169 : i32
      %broadcast_in_dim3A_178 = vector.broadcast %add3A_177 : i32 to vector<16xi32>
      %select_n3A_179 = arith.select %lt3A_174, %broadcast_in_dim3A_178, %select_n3A_165 : vector<16xi1>, vector<16xi32>
      scf.yield %select_n3A_175, %select_n3A_179 : vector<16xf32>, vector<16xi32>
    }
    %scan3A_38 = arith.constant 32 : i32
    %scan3A_39 = arith.constant 0 : i32
    %scan3A_40 = arith.constant 32 : i32
    %scan3A_41 = arith.addi %scan3A_39, %scan3A_40 : i32
    %scan3A_42 = arith.constant 1 : i32
    %scan3A_43:2 = scf.for %scan3A_68 = %scan3A_39 to %scan3A_41 step %scan3A_42 iter_args(%scan3A_69 = %scan3A_31#0, %scan3A_70 = %scan3A_31#1) -> (vector<16xf32>, vector<16xi32>)  : i32 {
      %mul3A_71 = arith.constant 8 : i32
      %mul3A_72 = arith.muli %scan3A_68, %mul3A_71 : i32
      %add3A_73 = arith.constant 0 : i32
      %add3A_74 = arith.addi %mul3A_72, %add3A_73 : i32
      %get3A = arith.index_cast %add3A_74 : i32 to index
      %get3A_75 = arith.constant 16 : index
      %get3A_76 = tpu.vector_load %arg6[%get3A, %get3A_75] {strides = array<i32>} : memref<256x32xf32, #tpu.memory_space<vmem>>, vector<1x16xf32>,
      %get3A_77 = vector.shape_cast %get3A_76 : vector<1x16xf32> to vector<16xf32>
      %lt3A = arith.cmpf olt, %get3A_77, %scan3A_69 : vector<16xf32>
      %select_n3A = arith.select %lt3A, %get3A_77, %scan3A_69 : vector<16xi1>, vector<16xf32>
      %add3A_78 = arith.constant 512 : i32
      %add3A_79 = arith.addi %add3A_78, %add3A_74 : i32
      %broadcast_in_dim3A_80 = vector.broadcast %add3A_79 : i32 to vector<16xi32>
      %select_n3A_81 = arith.select %lt3A, %broadcast_in_dim3A_80, %scan3A_70 : vector<16xi1>, vector<16xi32>
      %mul3A_82 = arith.constant 8 : i32
      %mul3A_83 = arith.muli %scan3A_68, %mul3A_82 : i32
      %add3A_84 = arith.constant 1 : i32
      %add3A_85 = arith.addi %mul3A_83, %add3A_84 : i32
      %get3A_86 = arith.index_cast %add3A_85 : i32 to index
      %get3A_87 = arith.constant 16 : index
      %get3A_88 = tpu.vector_load %arg6[%get3A_86, %get3A_87] {strides = array<i32>} : memref<256x32xf32, #tpu.memory_space<vmem>>, vector<1x16xf32>,
      %get3A_89 = vector.shape_cast %get3A_88 : vector<1x16xf32> to vector<16xf32>
      %lt3A_90 = arith.cmpf olt, %get3A_89, %select_n3A : vector<16xf32>
      %select_n3A_91 = arith.select %lt3A_90, %get3A_89, %select_n3A : vector<16xi1>, vector<16xf32>
      %add3A_92 = arith.constant 512 : i32
      %add3A_93 = arith.addi %add3A_92, %add3A_85 : i32
      %broadcast_in_dim3A_94 = vector.broadcast %add3A_93 : i32 to vector<16xi32>
      %select_n3A_95 = arith.select %lt3A_90, %broadcast_in_dim3A_94, %select_n3A_81 : vector<16xi1>, vector<16xi32>
      %mul3A_96 = arith.constant 8 : i32
      %mul3A_97 = arith.muli %scan3A_68, %mul3A_96 : i32
      %add3A_98 = arith.constant 2 : i32
      %add3A_99 = arith.addi %mul3A_97, %add3A_98 : i32
      %get3A_100 = arith.index_cast %add3A_99 : i32 to index
      %get3A_101 = arith.constant 16 : index
      %get3A_102 = tpu.vector_load %arg6[%get3A_100, %get3A_101] {strides = array<i32>} : memref<256x32xf32, #tpu.memory_space<vmem>>, vector<1x16xf32>,
      %get3A_103 = vector.shape_cast %get3A_102 : vector<1x16xf32> to vector<16xf32>
      %lt3A_104 = arith.cmpf olt, %get3A_103, %select_n3A_91 : vector<16xf32>
      %select_n3A_105 = arith.select %lt3A_104, %get3A_103, %select_n3A_91 : vector<16xi1>, vector<16xf32>
      %add3A_106 = arith.constant 512 : i32
      %add3A_107 = arith.addi %add3A_106, %add3A_99 : i32
      %broadcast_in_dim3A_108 = vector.broadcast %add3A_107 : i32 to vector<16xi32>
      %select_n3A_109 = arith.select %lt3A_104, %broadcast_in_dim3A_108, %select_n3A_95 : vector<16xi1>, vector<16xi32>
      %mul3A_110 = arith.constant 8 : i32
      %mul3A_111 = arith.muli %scan3A_68, %mul3A_110 : i32
      %add3A_112 = arith.constant 3 : i32
      %add3A_113 = arith.addi %mul3A_111, %add3A_112 : i32
      %get3A_114 = arith.index_cast %add3A_113 : i32 to index
      %get3A_115 = arith.constant 16 : index
      %get3A_116 = tpu.vector_load %arg6[%get3A_114, %get3A_115] {strides = array<i32>} : memref<256x32xf32, #tpu.memory_space<vmem>>, vector<1x16xf32>,
      %get3A_117 = vector.shape_cast %get3A_116 : vector<1x16xf32> to vector<16xf32>
      %lt3A_118 = arith.cmpf olt, %get3A_117, %select_n3A_105 : vector<16xf32>
      %select_n3A_119 = arith.select %lt3A_118, %get3A_117, %select_n3A_105 : vector<16xi1>, vector<16xf32>
      %add3A_120 = arith.constant 512 : i32
      %add3A_121 = arith.addi %add3A_120, %add3A_113 : i32
      %broadcast_in_dim3A_122 = vector.broadcast %add3A_121 : i32 to vector<16xi32>
      %select_n3A_123 = arith.select %lt3A_118, %broadcast_in_dim3A_122, %select_n3A_109 : vector<16xi1>, vector<16xi32>
      %mul3A_124 = arith.constant 8 : i32
      %mul3A_125 = arith.muli %scan3A_68, %mul3A_124 : i32
      %add3A_126 = arith.constant 4 : i32
      %add3A_127 = arith.addi %mul3A_125, %add3A_126 : i32
      %get3A_128 = arith.index_cast %add3A_127 : i32 to index
      %get3A_129 = arith.constant 16 : index
      %get3A_130 = tpu.vector_load %arg6[%get3A_128, %get3A_129] {strides = array<i32>} : memref<256x32xf32, #tpu.memory_space<vmem>>, vector<1x16xf32>,
      %get3A_131 = vector.shape_cast %get3A_130 : vector<1x16xf32> to vector<16xf32>
      %lt3A_132 = arith.cmpf olt, %get3A_131, %select_n3A_119 : vector<16xf32>
      %select_n3A_133 = arith.select %lt3A_132, %get3A_131, %select_n3A_119 : vector<16xi1>, vector<16xf32>
      %add3A_134 = arith.constant 512 : i32
      %add3A_135 = arith.addi %add3A_134, %add3A_127 : i32
      %broadcast_in_dim3A_136 = vector.broadcast %add3A_135 : i32 to vector<16xi32>
      %select_n3A_137 = arith.select %lt3A_132, %broadcast_in_dim3A_136, %select_n3A_123 : vector<16xi1>, vector<16xi32>
      %mul3A_138 = arith.constant 8 : i32
      %mul3A_139 = arith.muli %scan3A_68, %mul3A_138 : i32
      %add3A_140 = arith.constant 5 : i32
      %add3A_141 = arith.addi %mul3A_139, %add3A_140 : i32
      %get3A_142 = arith.index_cast %add3A_141 : i32 to index
      %get3A_143 = arith.constant 16 : index
      %get3A_144 = tpu.vector_load %arg6[%get3A_142, %get3A_143] {strides = array<i32>} : memref<256x32xf32, #tpu.memory_space<vmem>>, vector<1x16xf32>,
      %get3A_145 = vector.shape_cast %get3A_144 : vector<1x16xf32> to vector<16xf32>
      %lt3A_146 = arith.cmpf olt, %get3A_145, %select_n3A_133 : vector<16xf32>
      %select_n3A_147 = arith.select %lt3A_146, %get3A_145, %select_n3A_133 : vector<16xi1>, vector<16xf32>
      %add3A_148 = arith.constant 512 : i32
      %add3A_149 = arith.addi %add3A_148, %add3A_141 : i32
      %broadcast_in_dim3A_150 = vector.broadcast %add3A_149 : i32 to vector<16xi32>
      %select_n3A_151 = arith.select %lt3A_146, %broadcast_in_dim3A_150, %select_n3A_137 : vector<16xi1>, vector<16xi32>
      %mul3A_152 = arith.constant 8 : i32
      %mul3A_153 = arith.muli %scan3A_68, %mul3A_152 : i32
      %add3A_154 = arith.constant 6 : i32
      %add3A_155 = arith.addi %mul3A_153, %add3A_154 : i32
      %get3A_156 = arith.index_cast %add3A_155 : i32 to index
      %get3A_157 = arith.constant 16 : index
      %get3A_158 = tpu.vector_load %arg6[%get3A_156, %get3A_157] {strides = array<i32>} : memref<256x32xf32, #tpu.memory_space<vmem>>, vector<1x16xf32>,
      %get3A_159 = vector.shape_cast %get3A_158 : vector<1x16xf32> to vector<16xf32>
      %lt3A_160 = arith.cmpf olt, %get3A_159, %select_n3A_147 : vector<16xf32>
      %select_n3A_161 = arith.select %lt3A_160, %get3A_159, %select_n3A_147 : vector<16xi1>, vector<16xf32>
      %add3A_162 = arith.constant 512 : i32
      %add3A_163 = arith.addi %add3A_162, %add3A_155 : i32
      %broadcast_in_dim3A_164 = vector.broadcast %add3A_163 : i32 to vector<16xi32>
      %select_n3A_165 = arith.select %lt3A_160, %broadcast_in_dim3A_164, %select_n3A_151 : vector<16xi1>, vector<16xi32>
      %mul3A_166 = arith.constant 8 : i32
      %mul3A_167 = arith.muli %scan3A_68, %mul3A_166 : i32
      %add3A_168 = arith.constant 7 : i32
      %add3A_169 = arith.addi %mul3A_167, %add3A_168 : i32
      %get3A_170 = arith.index_cast %add3A_169 : i32 to index
      %get3A_171 = arith.constant 16 : index
      %get3A_172 = tpu.vector_load %arg6[%get3A_170, %get3A_171] {strides = array<i32>} : memref<256x32xf32, #tpu.memory_space<vmem>>, vector<1x16xf32>,
      %get3A_173 = vector.shape_cast %get3A_172 : vector<1x16xf32> to vector<16xf32>
      %lt3A_174 = arith.cmpf olt, %get3A_173, %select_n3A_161 : vector<16xf32>
      %select_n3A_175 = arith.select %lt3A_174, %get3A_173, %select_n3A_161 : vector<16xi1>, vector<16xf32>
      %add3A_176 = arith.constant 512 : i32
      %add3A_177 = arith.addi %add3A_176, %add3A_169 : i32
      %broadcast_in_dim3A_178 = vector.broadcast %add3A_177 : i32 to vector<16xi32>
      %select_n3A_179 = arith.select %lt3A_174, %broadcast_in_dim3A_178, %select_n3A_165 : vector<16xi1>, vector<16xi32>
      scf.yield %select_n3A_175, %select_n3A_179 : vector<16xf32>, vector<16xi32>
    }
    %scan3A_44 = arith.constant 32 : i32
    "tpu.region"() ({
      %run_scoped3A = tpu.sem_alloc : memref<!tpu.dma_semaphore, #tpu.memory_space<semaphore_mem>>
      %dma_start3A_68 = arith.constant 768 : i32
      %dma_start3A_69 = arith.constant 0 : i32
      %dma_start3A_70 = tpu.memref_slice %arg2[%add3A, %dma_start3A_68, %dma_start3A_69] : memref<32x1024x32xf32, #tpu.memory_space<hbm>> -> memref<1x256x32xf32, #tpu.memory_space<hbm>>
      %dma_start3A_71 = tpu.memref_squeeze %dma_start3A_70 : memref<1x256x32xf32, #tpu.memory_space<hbm>> -> memref<256x32xf32, #tpu.memory_space<hbm>>
      %dma_start3A_72 = arith.constant 768 : i32
      %dma_start3A_73 = arith.constant 0 : i32
      %dma_start3A_74 = tpu.memref_slice %arg2[%add3A, %dma_start3A_72, %dma_start3A_73] : memref<32x1024x32xf32, #tpu.memory_space<hbm>> -> memref<1x256x32xf32, #tpu.memory_space<hbm>>
      %dma_start3A_75 = tpu.memref_squeeze %dma_start3A_74 : memref<1x256x32xf32, #tpu.memory_space<hbm>> -> memref<256x32xf32, #tpu.memory_space<hbm>>
      tpu.enqueue_dma source(%dma_start3A_75 : memref<256x32xf32, #tpu.memory_space<hbm>>) target(%arg6 : memref<256x32xf32, #tpu.memory_space<vmem>>) target_semaphore(%run_scoped3A : memref<!tpu.dma_semaphore, #tpu.memory_space<semaphore_mem>>)
      %dma_wait3A_76 = arith.constant 768 : i32
      %dma_wait3A_77 = arith.constant 0 : i32
      %dma_wait3A_78 = tpu.memref_slice %arg2[%add3A, %dma_wait3A_76, %dma_wait3A_77] : memref<32x1024x32xf32, #tpu.memory_space<hbm>> -> memref<1x256x32xf32, #tpu.memory_space<hbm>>
      %dma_wait3A_79 = tpu.memref_squeeze %dma_wait3A_78 : memref<1x256x32xf32, #tpu.memory_space<hbm>> -> memref<256x32xf32, #tpu.memory_space<hbm>>
      %dma_wait3A_80 = arith.constant 768 : i32
      %dma_wait3A_81 = arith.constant 0 : i32
      %dma_wait3A_82 = tpu.memref_slice %arg2[%add3A, %dma_wait3A_80, %dma_wait3A_81] : memref<32x1024x32xf32, #tpu.memory_space<hbm>> -> memref<1x256x32xf32, #tpu.memory_space<hbm>>
      %dma_wait3A_83 = tpu.memref_squeeze %dma_wait3A_82 : memref<1x256x32xf32, #tpu.memory_space<hbm>> -> memref<256x32xf32, #tpu.memory_space<hbm>>
      tpu.wait_dma2 semaphore(%run_scoped3A : memref<!tpu.dma_semaphore, #tpu.memory_space<semaphore_mem>>) src(%dma_wait3A_83 : memref<256x32xf32, #tpu.memory_space<hbm>>) dst(%arg6 : memref<256x32xf32, #tpu.memory_space<vmem>>)
      tpu.yield
    }) : () -> ()
    %scan3A_45 = arith.constant 0 : i32
    %scan3A_46 = arith.constant 32 : i32
    %scan3A_47 = arith.addi %scan3A_45, %scan3A_46 : i32
    %scan3A_48 = arith.constant 1 : i32
    %scan3A_49:2 = scf.for %scan3A_68 = %scan3A_45 to %scan3A_47 step %scan3A_48 iter_args(%scan3A_69 = %scan3A_37#0, %scan3A_70 = %scan3A_37#1) -> (vector<16xf32>, vector<16xi32>)  : i32 {
      %mul3A_71 = arith.constant 8 : i32
      %mul3A_72 = arith.muli %scan3A_68, %mul3A_71 : i32
      %add3A_73 = arith.constant 0 : i32
      %add3A_74 = arith.addi %mul3A_72, %add3A_73 : i32
      %get3A = arith.index_cast %add3A_74 : i32 to index
      %get3A_75 = arith.constant 0 : index
      %get3A_76 = tpu.vector_load %arg6[%get3A, %get3A_75] {strides = array<i32>} : memref<256x32xf32, #tpu.memory_space<vmem>>, vector<1x16xf32>,
      %get3A_77 = vector.shape_cast %get3A_76 : vector<1x16xf32> to vector<16xf32>
      %lt3A = arith.cmpf olt, %get3A_77, %scan3A_69 : vector<16xf32>
      %select_n3A = arith.select %lt3A, %get3A_77, %scan3A_69 : vector<16xi1>, vector<16xf32>
      %add3A_78 = arith.constant 768 : i32
      %add3A_79 = arith.addi %add3A_78, %add3A_74 : i32
      %broadcast_in_dim3A_80 = vector.broadcast %add3A_79 : i32 to vector<16xi32>
      %select_n3A_81 = arith.select %lt3A, %broadcast_in_dim3A_80, %scan3A_70 : vector<16xi1>, vector<16xi32>
      %mul3A_82 = arith.constant 8 : i32
      %mul3A_83 = arith.muli %scan3A_68, %mul3A_82 : i32
      %add3A_84 = arith.constant 1 : i32
      %add3A_85 = arith.addi %mul3A_83, %add3A_84 : i32
      %get3A_86 = arith.index_cast %add3A_85 : i32 to index
      %get3A_87 = arith.constant 0 : index
      %get3A_88 = tpu.vector_load %arg6[%get3A_86, %get3A_87] {strides = array<i32>} : memref<256x32xf32, #tpu.memory_space<vmem>>, vector<1x16xf32>,
      %get3A_89 = vector.shape_cast %get3A_88 : vector<1x16xf32> to vector<16xf32>
      %lt3A_90 = arith.cmpf olt, %get3A_89, %select_n3A : vector<16xf32>
      %select_n3A_91 = arith.select %lt3A_90, %get3A_89, %select_n3A : vector<16xi1>, vector<16xf32>
      %add3A_92 = arith.constant 768 : i32
      %add3A_93 = arith.addi %add3A_92, %add3A_85 : i32
      %broadcast_in_dim3A_94 = vector.broadcast %add3A_93 : i32 to vector<16xi32>
      %select_n3A_95 = arith.select %lt3A_90, %broadcast_in_dim3A_94, %select_n3A_81 : vector<16xi1>, vector<16xi32>
      %mul3A_96 = arith.constant 8 : i32
      %mul3A_97 = arith.muli %scan3A_68, %mul3A_96 : i32
      %add3A_98 = arith.constant 2 : i32
      %add3A_99 = arith.addi %mul3A_97, %add3A_98 : i32
      %get3A_100 = arith.index_cast %add3A_99 : i32 to index
      %get3A_101 = arith.constant 0 : index
      %get3A_102 = tpu.vector_load %arg6[%get3A_100, %get3A_101] {strides = array<i32>} : memref<256x32xf32, #tpu.memory_space<vmem>>, vector<1x16xf32>,
      %get3A_103 = vector.shape_cast %get3A_102 : vector<1x16xf32> to vector<16xf32>
      %lt3A_104 = arith.cmpf olt, %get3A_103, %select_n3A_91 : vector<16xf32>
      %select_n3A_105 = arith.select %lt3A_104, %get3A_103, %select_n3A_91 : vector<16xi1>, vector<16xf32>
      %add3A_106 = arith.constant 768 : i32
      %add3A_107 = arith.addi %add3A_106, %add3A_99 : i32
      %broadcast_in_dim3A_108 = vector.broadcast %add3A_107 : i32 to vector<16xi32>
      %select_n3A_109 = arith.select %lt3A_104, %broadcast_in_dim3A_108, %select_n3A_95 : vector<16xi1>, vector<16xi32>
      %mul3A_110 = arith.constant 8 : i32
      %mul3A_111 = arith.muli %scan3A_68, %mul3A_110 : i32
      %add3A_112 = arith.constant 3 : i32
      %add3A_113 = arith.addi %mul3A_111, %add3A_112 : i32
      %get3A_114 = arith.index_cast %add3A_113 : i32 to index
      %get3A_115 = arith.constant 0 : index
      %get3A_116 = tpu.vector_load %arg6[%get3A_114, %get3A_115] {strides = array<i32>} : memref<256x32xf32, #tpu.memory_space<vmem>>, vector<1x16xf32>,
      %get3A_117 = vector.shape_cast %get3A_116 : vector<1x16xf32> to vector<16xf32>
      %lt3A_118 = arith.cmpf olt, %get3A_117, %select_n3A_105 : vector<16xf32>
      %select_n3A_119 = arith.select %lt3A_118, %get3A_117, %select_n3A_105 : vector<16xi1>, vector<16xf32>
      %add3A_120 = arith.constant 768 : i32
      %add3A_121 = arith.addi %add3A_120, %add3A_113 : i32
      %broadcast_in_dim3A_122 = vector.broadcast %add3A_121 : i32 to vector<16xi32>
      %select_n3A_123 = arith.select %lt3A_118, %broadcast_in_dim3A_122, %select_n3A_109 : vector<16xi1>, vector<16xi32>
      %mul3A_124 = arith.constant 8 : i32
      %mul3A_125 = arith.muli %scan3A_68, %mul3A_124 : i32
      %add3A_126 = arith.constant 4 : i32
      %add3A_127 = arith.addi %mul3A_125, %add3A_126 : i32
      %get3A_128 = arith.index_cast %add3A_127 : i32 to index
      %get3A_129 = arith.constant 0 : index
      %get3A_130 = tpu.vector_load %arg6[%get3A_128, %get3A_129] {strides = array<i32>} : memref<256x32xf32, #tpu.memory_space<vmem>>, vector<1x16xf32>,
      %get3A_131 = vector.shape_cast %get3A_130 : vector<1x16xf32> to vector<16xf32>
      %lt3A_132 = arith.cmpf olt, %get3A_131, %select_n3A_119 : vector<16xf32>
      %select_n3A_133 = arith.select %lt3A_132, %get3A_131, %select_n3A_119 : vector<16xi1>, vector<16xf32>
      %add3A_134 = arith.constant 768 : i32
      %add3A_135 = arith.addi %add3A_134, %add3A_127 : i32
      %broadcast_in_dim3A_136 = vector.broadcast %add3A_135 : i32 to vector<16xi32>
      %select_n3A_137 = arith.select %lt3A_132, %broadcast_in_dim3A_136, %select_n3A_123 : vector<16xi1>, vector<16xi32>
      %mul3A_138 = arith.constant 8 : i32
      %mul3A_139 = arith.muli %scan3A_68, %mul3A_138 : i32
      %add3A_140 = arith.constant 5 : i32
      %add3A_141 = arith.addi %mul3A_139, %add3A_140 : i32
      %get3A_142 = arith.index_cast %add3A_141 : i32 to index
      %get3A_143 = arith.constant 0 : index
      %get3A_144 = tpu.vector_load %arg6[%get3A_142, %get3A_143] {strides = array<i32>} : memref<256x32xf32, #tpu.memory_space<vmem>>, vector<1x16xf32>,
      %get3A_145 = vector.shape_cast %get3A_144 : vector<1x16xf32> to vector<16xf32>
      %lt3A_146 = arith.cmpf olt, %get3A_145, %select_n3A_133 : vector<16xf32>
      %select_n3A_147 = arith.select %lt3A_146, %get3A_145, %select_n3A_133 : vector<16xi1>, vector<16xf32>
      %add3A_148 = arith.constant 768 : i32
      %add3A_149 = arith.addi %add3A_148, %add3A_141 : i32
      %broadcast_in_dim3A_150 = vector.broadcast %add3A_149 : i32 to vector<16xi32>
      %select_n3A_151 = arith.select %lt3A_146, %broadcast_in_dim3A_150, %select_n3A_137 : vector<16xi1>, vector<16xi32>
      %mul3A_152 = arith.constant 8 : i32
      %mul3A_153 = arith.muli %scan3A_68, %mul3A_152 : i32
      %add3A_154 = arith.constant 6 : i32
      %add3A_155 = arith.addi %mul3A_153, %add3A_154 : i32
      %get3A_156 = arith.index_cast %add3A_155 : i32 to index
      %get3A_157 = arith.constant 0 : index
      %get3A_158 = tpu.vector_load %arg6[%get3A_156, %get3A_157] {strides = array<i32>} : memref<256x32xf32, #tpu.memory_space<vmem>>, vector<1x16xf32>,
      %get3A_159 = vector.shape_cast %get3A_158 : vector<1x16xf32> to vector<16xf32>
      %lt3A_160 = arith.cmpf olt, %get3A_159, %select_n3A_147 : vector<16xf32>
      %select_n3A_161 = arith.select %lt3A_160, %get3A_159, %select_n3A_147 : vector<16xi1>, vector<16xf32>
      %add3A_162 = arith.constant 768 : i32
      %add3A_163 = arith.addi %add3A_162, %add3A_155 : i32
      %broadcast_in_dim3A_164 = vector.broadcast %add3A_163 : i32 to vector<16xi32>
      %select_n3A_165 = arith.select %lt3A_160, %broadcast_in_dim3A_164, %select_n3A_151 : vector<16xi1>, vector<16xi32>
      %mul3A_166 = arith.constant 8 : i32
      %mul3A_167 = arith.muli %scan3A_68, %mul3A_166 : i32
      %add3A_168 = arith.constant 7 : i32
      %add3A_169 = arith.addi %mul3A_167, %add3A_168 : i32
      %get3A_170 = arith.index_cast %add3A_169 : i32 to index
      %get3A_171 = arith.constant 0 : index
      %get3A_172 = tpu.vector_load %arg6[%get3A_170, %get3A_171] {strides = array<i32>} : memref<256x32xf32, #tpu.memory_space<vmem>>, vector<1x16xf32>,
      %get3A_173 = vector.shape_cast %get3A_172 : vector<1x16xf32> to vector<16xf32>
      %lt3A_174 = arith.cmpf olt, %get3A_173, %select_n3A_161 : vector<16xf32>
      %select_n3A_175 = arith.select %lt3A_174, %get3A_173, %select_n3A_161 : vector<16xi1>, vector<16xf32>
      %add3A_176 = arith.constant 768 : i32
      %add3A_177 = arith.addi %add3A_176, %add3A_169 : i32
      %broadcast_in_dim3A_178 = vector.broadcast %add3A_177 : i32 to vector<16xi32>
      %select_n3A_179 = arith.select %lt3A_174, %broadcast_in_dim3A_178, %select_n3A_165 : vector<16xi1>, vector<16xi32>
      scf.yield %select_n3A_175, %select_n3A_179 : vector<16xf32>, vector<16xi32>
    }
    %scan3A_50 = arith.constant 32 : i32
    %scan3A_51 = arith.constant 0 : i32
    %scan3A_52 = arith.constant 32 : i32
    %scan3A_53 = arith.addi %scan3A_51, %scan3A_52 : i32
    %scan3A_54 = arith.constant 1 : i32
    %scan3A_55:2 = scf.for %scan3A_68 = %scan3A_51 to %scan3A_53 step %scan3A_54 iter_args(%scan3A_69 = %scan3A_43#0, %scan3A_70 = %scan3A_43#1) -> (vector<16xf32>, vector<16xi32>)  : i32 {
      %mul3A_71 = arith.constant 8 : i32
      %mul3A_72 = arith.muli %scan3A_68, %mul3A_71 : i32
      %add3A_73 = arith.constant 0 : i32
      %add3A_74 = arith.addi %mul3A_72, %add3A_73 : i32
      %get3A = arith.index_cast %add3A_74 : i32 to index
      %get3A_75 = arith.constant 16 : index
      %get3A_76 = tpu.vector_load %arg6[%get3A, %get3A_75] {strides = array<i32>} : memref<256x32xf32, #tpu.memory_space<vmem>>, vector<1x16xf32>,
      %get3A_77 = vector.shape_cast %get3A_76 : vector<1x16xf32> to vector<16xf32>
      %lt3A = arith.cmpf olt, %get3A_77, %scan3A_69 : vector<16xf32>
      %select_n3A = arith.select %lt3A, %get3A_77, %scan3A_69 : vector<16xi1>, vector<16xf32>
      %add3A_78 = arith.constant 768 : i32
      %add3A_79 = arith.addi %add3A_78, %add3A_74 : i32
      %broadcast_in_dim3A_80 = vector.broadcast %add3A_79 : i32 to vector<16xi32>
      %select_n3A_81 = arith.select %lt3A, %broadcast_in_dim3A_80, %scan3A_70 : vector<16xi1>, vector<16xi32>
      %mul3A_82 = arith.constant 8 : i32
      %mul3A_83 = arith.muli %scan3A_68, %mul3A_82 : i32
      %add3A_84 = arith.constant 1 : i32
      %add3A_85 = arith.addi %mul3A_83, %add3A_84 : i32
      %get3A_86 = arith.index_cast %add3A_85 : i32 to index
      %get3A_87 = arith.constant 16 : index
      %get3A_88 = tpu.vector_load %arg6[%get3A_86, %get3A_87] {strides = array<i32>} : memref<256x32xf32, #tpu.memory_space<vmem>>, vector<1x16xf32>,
      %get3A_89 = vector.shape_cast %get3A_88 : vector<1x16xf32> to vector<16xf32>
      %lt3A_90 = arith.cmpf olt, %get3A_89, %select_n3A : vector<16xf32>
      %select_n3A_91 = arith.select %lt3A_90, %get3A_89, %select_n3A : vector<16xi1>, vector<16xf32>
      %add3A_92 = arith.constant 768 : i32
      %add3A_93 = arith.addi %add3A_92, %add3A_85 : i32
      %broadcast_in_dim3A_94 = vector.broadcast %add3A_93 : i32 to vector<16xi32>
      %select_n3A_95 = arith.select %lt3A_90, %broadcast_in_dim3A_94, %select_n3A_81 : vector<16xi1>, vector<16xi32>
      %mul3A_96 = arith.constant 8 : i32
      %mul3A_97 = arith.muli %scan3A_68, %mul3A_96 : i32
      %add3A_98 = arith.constant 2 : i32
      %add3A_99 = arith.addi %mul3A_97, %add3A_98 : i32
      %get3A_100 = arith.index_cast %add3A_99 : i32 to index
      %get3A_101 = arith.constant 16 : index
      %get3A_102 = tpu.vector_load %arg6[%get3A_100, %get3A_101] {strides = array<i32>} : memref<256x32xf32, #tpu.memory_space<vmem>>, vector<1x16xf32>,
      %get3A_103 = vector.shape_cast %get3A_102 : vector<1x16xf32> to vector<16xf32>
      %lt3A_104 = arith.cmpf olt, %get3A_103, %select_n3A_91 : vector<16xf32>
      %select_n3A_105 = arith.select %lt3A_104, %get3A_103, %select_n3A_91 : vector<16xi1>, vector<16xf32>
      %add3A_106 = arith.constant 768 : i32
      %add3A_107 = arith.addi %add3A_106, %add3A_99 : i32
      %broadcast_in_dim3A_108 = vector.broadcast %add3A_107 : i32 to vector<16xi32>
      %select_n3A_109 = arith.select %lt3A_104, %broadcast_in_dim3A_108, %select_n3A_95 : vector<16xi1>, vector<16xi32>
      %mul3A_110 = arith.constant 8 : i32
      %mul3A_111 = arith.muli %scan3A_68, %mul3A_110 : i32
      %add3A_112 = arith.constant 3 : i32
      %add3A_113 = arith.addi %mul3A_111, %add3A_112 : i32
      %get3A_114 = arith.index_cast %add3A_113 : i32 to index
      %get3A_115 = arith.constant 16 : index
      %get3A_116 = tpu.vector_load %arg6[%get3A_114, %get3A_115] {strides = array<i32>} : memref<256x32xf32, #tpu.memory_space<vmem>>, vector<1x16xf32>,
      %get3A_117 = vector.shape_cast %get3A_116 : vector<1x16xf32> to vector<16xf32>
      %lt3A_118 = arith.cmpf olt, %get3A_117, %select_n3A_105 : vector<16xf32>
      %select_n3A_119 = arith.select %lt3A_118, %get3A_117, %select_n3A_105 : vector<16xi1>, vector<16xf32>
      %add3A_120 = arith.constant 768 : i32
      %add3A_121 = arith.addi %add3A_120, %add3A_113 : i32
      %broadcast_in_dim3A_122 = vector.broadcast %add3A_121 : i32 to vector<16xi32>
      %select_n3A_123 = arith.select %lt3A_118, %broadcast_in_dim3A_122, %select_n3A_109 : vector<16xi1>, vector<16xi32>
      %mul3A_124 = arith.constant 8 : i32
      %mul3A_125 = arith.muli %scan3A_68, %mul3A_124 : i32
      %add3A_126 = arith.constant 4 : i32
      %add3A_127 = arith.addi %mul3A_125, %add3A_126 : i32
      %get3A_128 = arith.index_cast %add3A_127 : i32 to index
      %get3A_129 = arith.constant 16 : index
      %get3A_130 = tpu.vector_load %arg6[%get3A_128, %get3A_129] {strides = array<i32>} : memref<256x32xf32, #tpu.memory_space<vmem>>, vector<1x16xf32>,
      %get3A_131 = vector.shape_cast %get3A_130 : vector<1x16xf32> to vector<16xf32>
      %lt3A_132 = arith.cmpf olt, %get3A_131, %select_n3A_119 : vector<16xf32>
      %select_n3A_133 = arith.select %lt3A_132, %get3A_131, %select_n3A_119 : vector<16xi1>, vector<16xf32>
      %add3A_134 = arith.constant 768 : i32
      %add3A_135 = arith.addi %add3A_134, %add3A_127 : i32
      %broadcast_in_dim3A_136 = vector.broadcast %add3A_135 : i32 to vector<16xi32>
      %select_n3A_137 = arith.select %lt3A_132, %broadcast_in_dim3A_136, %select_n3A_123 : vector<16xi1>, vector<16xi32>
      %mul3A_138 = arith.constant 8 : i32
      %mul3A_139 = arith.muli %scan3A_68, %mul3A_138 : i32
      %add3A_140 = arith.constant 5 : i32
      %add3A_141 = arith.addi %mul3A_139, %add3A_140 : i32
      %get3A_142 = arith.index_cast %add3A_141 : i32 to index
      %get3A_143 = arith.constant 16 : index
      %get3A_144 = tpu.vector_load %arg6[%get3A_142, %get3A_143] {strides = array<i32>} : memref<256x32xf32, #tpu.memory_space<vmem>>, vector<1x16xf32>,
      %get3A_145 = vector.shape_cast %get3A_144 : vector<1x16xf32> to vector<16xf32>
      %lt3A_146 = arith.cmpf olt, %get3A_145, %select_n3A_133 : vector<16xf32>
      %select_n3A_147 = arith.select %lt3A_146, %get3A_145, %select_n3A_133 : vector<16xi1>, vector<16xf32>
      %add3A_148 = arith.constant 768 : i32
      %add3A_149 = arith.addi %add3A_148, %add3A_141 : i32
      %broadcast_in_dim3A_150 = vector.broadcast %add3A_149 : i32 to vector<16xi32>
      %select_n3A_151 = arith.select %lt3A_146, %broadcast_in_dim3A_150, %select_n3A_137 : vector<16xi1>, vector<16xi32>
      %mul3A_152 = arith.constant 8 : i32
      %mul3A_153 = arith.muli %scan3A_68, %mul3A_152 : i32
      %add3A_154 = arith.constant 6 : i32
      %add3A_155 = arith.addi %mul3A_153, %add3A_154 : i32
      %get3A_156 = arith.index_cast %add3A_155 : i32 to index
      %get3A_157 = arith.constant 16 : index
      %get3A_158 = tpu.vector_load %arg6[%get3A_156, %get3A_157] {strides = array<i32>} : memref<256x32xf32, #tpu.memory_space<vmem>>, vector<1x16xf32>,
      %get3A_159 = vector.shape_cast %get3A_158 : vector<1x16xf32> to vector<16xf32>
      %lt3A_160 = arith.cmpf olt, %get3A_159, %select_n3A_147 : vector<16xf32>
      %select_n3A_161 = arith.select %lt3A_160, %get3A_159, %select_n3A_147 : vector<16xi1>, vector<16xf32>
      %add3A_162 = arith.constant 768 : i32
      %add3A_163 = arith.addi %add3A_162, %add3A_155 : i32
      %broadcast_in_dim3A_164 = vector.broadcast %add3A_163 : i32 to vector<16xi32>
      %select_n3A_165 = arith.select %lt3A_160, %broadcast_in_dim3A_164, %select_n3A_151 : vector<16xi1>, vector<16xi32>
      %mul3A_166 = arith.constant 8 : i32
      %mul3A_167 = arith.muli %scan3A_68, %mul3A_166 : i32
      %add3A_168 = arith.constant 7 : i32
      %add3A_169 = arith.addi %mul3A_167, %add3A_168 : i32
      %get3A_170 = arith.index_cast %add3A_169 : i32 to index
      %get3A_171 = arith.constant 16 : index
      %get3A_172 = tpu.vector_load %arg6[%get3A_170, %get3A_171] {strides = array<i32>} : memref<256x32xf32, #tpu.memory_space<vmem>>, vector<1x16xf32>,
      %get3A_173 = vector.shape_cast %get3A_172 : vector<1x16xf32> to vector<16xf32>
      %lt3A_174 = arith.cmpf olt, %get3A_173, %select_n3A_161 : vector<16xf32>
      %select_n3A_175 = arith.select %lt3A_174, %get3A_173, %select_n3A_161 : vector<16xi1>, vector<16xf32>
      %add3A_176 = arith.constant 768 : i32
      %add3A_177 = arith.addi %add3A_176, %add3A_169 : i32
      %broadcast_in_dim3A_178 = vector.broadcast %add3A_177 : i32 to vector<16xi32>
      %select_n3A_179 = arith.select %lt3A_174, %broadcast_in_dim3A_178, %select_n3A_165 : vector<16xi1>, vector<16xi32>
      scf.yield %select_n3A_175, %select_n3A_179 : vector<16xf32>, vector<16xi32>
    }
    %scan3A_56 = arith.constant 32 : i32
    %swap3A = arith.constant 0 : index
    %swap3A_57 = tpu.vector_load %arg7[%swap3A] {strides = array<i32>} : memref<32xi32, #tpu.memory_space<vmem>>, vector<16xi32>,
    %swap3A_58 = vector.shape_cast %swap3A_57 : vector<16xi32> to vector<16xi32>
    %swap3A_59 = vector.shape_cast %scan3A_49#1 : vector<16xi32> to vector<16xi32>
    tpu.vector_store %arg7[%swap3A], %swap3A_59 {strides = array<i32>} : memref<32xi32, #tpu.memory_space<vmem>>, vector<16xi32>,
    %swap3A_60 = arith.constant 16 : index
    %swap3A_61 = tpu.vector_load %arg7[%swap3A_60] {strides = array<i32>} : memref<32xi32, #tpu.memory_space<vmem>>, vector<16xi32>,
    %swap3A_62 = vector.shape_cast %swap3A_61 : vector<16xi32> to vector<16xi32>
    %swap3A_63 = vector.shape_cast %scan3A_55#1 : vector<16xi32> to vector<16xi32>
    tpu.vector_store %arg7[%swap3A_60], %swap3A_63 {strides = array<i32>} : memref<32xi32, #tpu.memory_space<vmem>>, vector<16xi32>,
    %dma_start3A = arith.constant 0 : i32
    %dma_start3A_64 = arith.constant 0 : i32
    %dma_start3A_65 = tpu.memref_slice %arg3[%dma_start3A, %dma_start3A_64] : memref<1024x128xf32, #tpu.memory_space<hbm>> -> memref<1024x128xf32, #tpu.memory_space<hbm>>
    tpu.enqueue_indirect_dma source(%dma_start3A_65 : memref<1024x128xf32, #tpu.memory_space<hbm>>) target(%arg8 : memref<32x128xf32, #tpu.memory_space<vmem>>) offsets(%arg7 : memref<32xi32, #tpu.memory_space<vmem>>) semaphore(%arg9 : memref<!tpu.dma_semaphore, #tpu.memory_space<semaphore_mem>>)
    %dma_wait3A = arith.constant 0 : i32
    %dma_wait3A_66 = arith.constant 0 : i32
    %dma_wait3A_67 = tpu.memref_slice %arg3[%dma_wait3A, %dma_wait3A_66] : memref<1024x128xf32, #tpu.memory_space<hbm>> -> memref<1024x128xf32, #tpu.memory_space<hbm>>
    tpu.wait_indirect_dma semaphore(%arg9 : memref<!tpu.dma_semaphore, #tpu.memory_space<semaphore_mem>>) src(%dma_wait3A_67 : memref<1024x128xf32, #tpu.memory_space<hbm>>) dst(%arg8 : memref<32x128xf32, #tpu.memory_space<vmem>>)
    "tpu.region"() ({
      %run_scoped3A = tpu.sem_alloc : memref<!tpu.dma_semaphore, #tpu.memory_space<semaphore_mem>>
      %dma_start3A_68 = arith.constant 0 : i32
      %dma_start3A_69 = tpu.memref_slice %arg5[%mul3A_2, %dma_start3A_68] : memref<1024x128xf32, #tpu.memory_space<hbm>> -> memref<32x128xf32, #tpu.memory_space<hbm>>
      %dma_start3A_70 = arith.constant 0 : i32
      %dma_start3A_71 = tpu.memref_slice %arg5[%mul3A_2, %dma_start3A_70] : memref<1024x128xf32, #tpu.memory_space<hbm>> -> memref<32x128xf32, #tpu.memory_space<hbm>>
      tpu.enqueue_dma source(%arg8 : memref<32x128xf32, #tpu.memory_space<vmem>>) target(%dma_start3A_71 : memref<32x128xf32, #tpu.memory_space<hbm>>) target_semaphore(%run_scoped3A : memref<!tpu.dma_semaphore, #tpu.memory_space<semaphore_mem>>)
      %dma_wait3A_72 = arith.constant 0 : i32
      %dma_wait3A_73 = tpu.memref_slice %arg5[%mul3A_2, %dma_wait3A_72] : memref<1024x128xf32, #tpu.memory_space<hbm>> -> memref<32x128xf32, #tpu.memory_space<hbm>>
      %dma_wait3A_74 = arith.constant 0 : i32
      %dma_wait3A_75 = tpu.memref_slice %arg5[%mul3A_2, %dma_wait3A_74] : memref<1024x128xf32, #tpu.memory_space<hbm>> -> memref<32x128xf32, #tpu.memory_space<hbm>>
      tpu.wait_dma2 semaphore(%run_scoped3A : memref<!tpu.dma_semaphore, #tpu.memory_space<semaphore_mem>>) src(%arg8 : memref<32x128xf32, #tpu.memory_space<vmem>>) dst(%dma_wait3A_75 : memref<32x128xf32, #tpu.memory_space<hbm>>)
      tpu.yield
    }) : () -> ()
    "tpu.region"() ({
      %run_scoped3A = tpu.sem_alloc : memref<!tpu.dma_semaphore, #tpu.memory_space<semaphore_mem>>
      %dma_start3A_68 = tpu.memref_slice %arg4[%mul3A_2] : memref<1024xi32, #tpu.memory_space<hbm>> -> memref<32xi32, #tpu.memory_space<hbm>>
      %dma_start3A_69 = tpu.memref_slice %arg4[%mul3A_2] : memref<1024xi32, #tpu.memory_space<hbm>> -> memref<32xi32, #tpu.memory_space<hbm>>
      tpu.enqueue_dma source(%arg7 : memref<32xi32, #tpu.memory_space<vmem>>) target(%dma_start3A_69 : memref<32xi32, #tpu.memory_space<hbm>>) target_semaphore(%run_scoped3A : memref<!tpu.dma_semaphore, #tpu.memory_space<semaphore_mem>>)
      %dma_wait3A_70 = tpu.memref_slice %arg4[%mul3A_2] : memref<1024xi32, #tpu.memory_space<hbm>> -> memref<32xi32, #tpu.memory_space<hbm>>
      %dma_wait3A_71 = tpu.memref_slice %arg4[%mul3A_2] : memref<1024xi32, #tpu.memory_space<hbm>> -> memref<32xi32, #tpu.memory_space<hbm>>
      tpu.wait_dma2 semaphore(%run_scoped3A : memref<!tpu.dma_semaphore, #tpu.memory_space<semaphore_mem>>) src(%arg7 : memref<32xi32, #tpu.memory_space<vmem>>) dst(%dma_wait3A_71 : memref<32xi32, #tpu.memory_space<hbm>>)
      tpu.yield
    }) : () -> ()
    return
  }
}

module attributes {stable_mosaic.version = 14 : i64} {
  func.func @_enc_body(%arg0: i32, %arg1: memref<2x576x768xf32, #tpu.memory_space<vmem>>, %arg2: memref<2x576x768xf32, #tpu.memory_space<vmem>>, %arg3: memref<32x1152xf32, #tpu.memory_space<vmem>>, %arg4: memref<64x768xf32, #tpu.memory_space<vmem>>, %arg5: memref<1x64xf32, #tpu.memory_space<vmem>>, %arg6: memref<1024x64xf32, #tpu.memory_space<vmem>>, %arg7: memref<1x1024x32xf32, #tpu.memory_space<vmem>>, %arg8: memref<1024x1xf32, #tpu.memory_space<vmem>>, %arg9: memref<64x768xf32, #tpu.memory_space<vmem>>) attributes {dimension_semantics = [#tpu.dimension_semantics<arbitrary>], iteration_bounds = array<i64: 32>, scalar_prefetch = 0 : i64, scratch_operands = 2 : i64, tpu.core_type = #tpu.core_type<tc>, window_params = [{transform_indices = @transform_0, window_bounds = array<i64: 2, 576, 768>}, {transform_indices = @transform_1, window_bounds = array<i64: 2, 576, 768>}, {pipeline_mode = #tpu.pipeline_mode<synchronous>, transform_indices = @transform_2, window_bounds = array<i64: 32, 1152>}, {pipeline_mode = #tpu.pipeline_mode<synchronous>, transform_indices = @transform_3, window_bounds = array<i64: 64, 768>}, {pipeline_mode = #tpu.pipeline_mode<synchronous>, transform_indices = @transform_4, window_bounds = array<i64: 1, 64>}, {pipeline_mode = #tpu.pipeline_mode<synchronous>, transform_indices = @transform_5, window_bounds = array<i64: 1024, 64>}, {transform_indices = @transform_6, window_bounds = array<i64: 1, 1024, 32>}]} {
    %eq3A = arith.constant 0 : i32
    %eq3A_0 = arith.cmpi eq, %arg0, %eq3A : i32
    %convert_element_type3A = arith.extui %eq3A_0 : i1 to i32
    %cond3A = arith.constant 0 : i32
    %cond3A_1 = arith.cmpi ne, %convert_element_type3A, %cond3A : i32
    scf.if %cond3A_1 {
      %get3A_42 = arith.constant 0 : index
      %get3A_43 = arith.constant 0 : index
      %get3A_44 = vector.load %arg6[%get3A_42, %get3A_43] : memref<1024x64xf32, #tpu.memory_space<vmem>>, vector<1024x64xf32>
      %mul3A_45 = arith.mulf %get3A_44, %get3A_44 : vector<1024x64xf32>
      %reduce_sum3A = arith.constant dense<0.000000e+00> : vector<1024xf32>
      %reduce_sum3A_46 = vector.multi_reduction <add>, %mul3A_45, %reduce_sum3A [1] : vector<1024x64xf32> to vector<1024xf32>
      %broadcast_in_dim3A = vector.shape_cast %reduce_sum3A_46 : vector<1024xf32> to vector<1024x1xf32>
      %swap3A_47 = arith.constant 0 : index
      %swap3A_48 = arith.constant 0 : index
      %swap3A_49 = vector.load %arg8[%swap3A_47, %swap3A_48] : memref<1024x1xf32, #tpu.memory_space<vmem>>, vector<1024x1xf32>
      tpu.vector_store %arg8[%swap3A_47, %swap3A_48], %broadcast_in_dim3A {strides = array<i32>} : memref<1024x1xf32, #tpu.memory_space<vmem>>, vector<1024x1xf32>,
      %get3A_50 = arith.constant 0 : index
      %get3A_51 = arith.constant 0 : index
      %get3A_52 = vector.load %arg4[%get3A_50, %get3A_51] : memref<64x768xf32, #tpu.memory_space<vmem>>, vector<64x768xf32>
      %convert_element_type3A_53 = arith.truncf %get3A_52 : vector<64x768xf32> to vector<64x768xbf16>
      %convert_element_type3A_54 = arith.extf %convert_element_type3A_53 : vector<64x768xbf16> to vector<64x768xf32>
      %swap3A_55 = arith.constant 0 : index
      %swap3A_56 = arith.constant 0 : index
      %swap3A_57 = vector.load %arg9[%swap3A_55, %swap3A_56] : memref<64x768xf32, #tpu.memory_space<vmem>>, vector<64x768xf32>
      tpu.vector_store %arg9[%swap3A_55, %swap3A_56], %convert_element_type3A_54 {strides = array<i32>} : memref<64x768xf32, #tpu.memory_space<vmem>>, vector<64x768xf32>,
    } else {
    }
    %get3A = arith.constant 0 : index
    %get3A_2 = arith.constant 0 : index
    %get3A_3 = arith.constant 0 : index
    %get3A_4 = vector.load %arg2[%get3A, %get3A_2, %get3A_3] : memref<2x576x768xf32, #tpu.memory_space<vmem>>, vector<2x576x768xf32>
    %get3A_5 = arith.constant 0 : index
    %get3A_6 = arith.constant 0 : index
    %get3A_7 = arith.constant 0 : index
    %get3A_8 = vector.load %arg1[%get3A_5, %get3A_6, %get3A_7] : memref<2x576x768xf32, #tpu.memory_space<vmem>>, vector<2x576x768xf32>
    %sub3A = arith.subf %get3A_4, %get3A_8 : vector<2x576x768xf32>
    %reshape3A = vector.shape_cast %sub3A : vector<2x576x768xf32> to vector<1152x768xf32>
    %get3A_9 = arith.constant 0 : index
    %get3A_10 = arith.constant 0 : index
    %get3A_11 = vector.load %arg3[%get3A_9, %get3A_10] : memref<32x1152xf32, #tpu.memory_space<vmem>>, vector<32x1152xf32>
    %dot_general3A = arith.constant dense<0.000000e+00> : vector<32x768xf32>
    %dot_general3A_12 = tpu.matmul %get3A_11, %reshape3A, %dot_general3A {dimension_numbers = #tpu.dot_dimension_numbers<[1], [0], [0], [1], [0, 0, 1, 1], [], []>, transpose_lhs_hint = false} : vector<32x1152xf32>, vector<1152x768xf32>, vector<32x768xf32> -> vector<32x768xf32>
    %get3A_13 = arith.constant 0 : index
    %get3A_14 = arith.constant 0 : index
    %get3A_15 = vector.load %arg9[%get3A_13, %get3A_14] : memref<64x768xf32, #tpu.memory_space<vmem>>, vector<64x768xf32>
    %dot_general3A_16 = arith.constant dense<0.000000e+00> : vector<32x64xf32>
    %dot_general3A_17 = tpu.matmul %dot_general3A_12, %get3A_15, %dot_general3A_16 {dimension_numbers = #tpu.dot_dimension_numbers<[1], [1], [0], [0], [0, 0, 1, 0], [], []>, precision = #tpu.contract_precision<fp32>, transpose_lhs_hint = false} : vector<32x768xf32>, vector<64x768xf32>, vector<32x64xf32> -> vector<32x64xf32>
    %mul3A = arith.constant 0.027777778 : f32
    %mul3A_18 = vector.broadcast %mul3A : f32 to vector<32x64xf32>
    %mul3A_19 = arith.mulf %dot_general3A_17, %mul3A_18 : vector<32x64xf32>
    %get3A_20 = arith.constant 0 : index
    %get3A_21 = arith.constant 0 : index
    %get3A_22 = vector.load %arg5[%get3A_20, %get3A_21] : memref<1x64xf32, #tpu.memory_space<vmem>>, vector<1x64xf32>
    %add3A = vector.broadcast %get3A_22 : vector<1x64xf32> to vector<32x64xf32>
    %add3A_23 = arith.addf %mul3A_19, %add3A : vector<32x64xf32>
    %get3A_24 = arith.constant 0 : index
    %get3A_25 = arith.constant 0 : index
    %get3A_26 = vector.load %arg6[%get3A_24, %get3A_25] : memref<1024x64xf32, #tpu.memory_space<vmem>>, vector<1024x64xf32>
    %dot_general3A_27 = arith.constant dense<0.000000e+00> : vector<1024x32xf32>
    %dot_general3A_28 = tpu.matmul %get3A_26, %add3A_23, %dot_general3A_27 {dimension_numbers = #tpu.dot_dimension_numbers<[1], [1], [0], [0], [0, 0, 1, 0], [], []>, transpose_lhs_hint = false} : vector<1024x64xf32>, vector<32x64xf32>, vector<1024x32xf32> -> vector<1024x32xf32>
    %get3A_29 = arith.constant 0 : index
    %get3A_30 = arith.constant 0 : index
    %get3A_31 = vector.load %arg8[%get3A_29, %get3A_30] : memref<1024x1xf32, #tpu.memory_space<vmem>>, vector<1024x1xf32>
    %mul3A_32 = arith.constant 2.000000e+00 : f32
    %mul3A_33 = vector.broadcast %mul3A_32 : f32 to vector<1024x32xf32>
    %mul3A_34 = arith.mulf %mul3A_33, %dot_general3A_28 : vector<1024x32xf32>
    %sub3A_35 = vector.broadcast %get3A_31 : vector<1024x1xf32> to vector<1024x32xf32>
    %sub3A_36 = arith.subf %sub3A_35, %mul3A_34 : vector<1024x32xf32>
    %swap3A = arith.constant 0 : index
    %swap3A_37 = arith.constant 0 : index
    %swap3A_38 = arith.constant 0 : index
    %swap3A_39 = vector.load %arg7[%swap3A, %swap3A_37, %swap3A_38] : memref<1x1024x32xf32, #tpu.memory_space<vmem>>, vector<1x1024x32xf32>
    %swap3A_40 = vector.shape_cast %swap3A_39 : vector<1x1024x32xf32> to vector<1024x32xf32>
    %swap3A_41 = vector.shape_cast %sub3A_36 : vector<1024x32xf32> to vector<1x1024x32xf32>
    tpu.vector_store %arg7[%swap3A, %swap3A_37, %swap3A_38], %swap3A_41 {strides = array<i32>} : memref<1x1024x32xf32, #tpu.memory_space<vmem>>, vector<1x1024x32xf32>,
    return
  }
  func.func @transform_0(%arg0: i32) -> (i32, i32, i32) {
    %c0_i32 = arith.constant 0 : i32
    %c0_i32_0 = arith.constant 0 : i32
    %c0_i32_1 = arith.constant 0 : i32
    return %arg0, %c0_i32, %c0_i32_0 : i32, i32, i32
  }
  func.func @transform_1(%arg0: i32) -> (i32, i32, i32) {
    %c0_i32 = arith.constant 0 : i32
    %c0_i32_0 = arith.constant 0 : i32
    %c0_i32_1 = arith.constant 0 : i32
    return %arg0, %c0_i32, %c0_i32_0 : i32, i32, i32
  }
  func.func @transform_2(%arg0: i32) -> (i32, i32) {
    %c0_i32 = arith.constant 0 : i32
    %c0_i32_0 = arith.constant 0 : i32
    %c0_i32_1 = arith.constant 0 : i32
    return %c0_i32, %c0_i32_0 : i32, i32
  }
  func.func @transform_3(%arg0: i32) -> (i32, i32) {
    %c0_i32 = arith.constant 0 : i32
    %c0_i32_0 = arith.constant 0 : i32
    %c0_i32_1 = arith.constant 0 : i32
    return %c0_i32, %c0_i32_0 : i32, i32
  }
  func.func @transform_4(%arg0: i32) -> (i32, i32) {
    %c0_i32 = arith.constant 0 : i32
    %c0_i32_0 = arith.constant 0 : i32
    %c0_i32_1 = arith.constant 0 : i32
    return %c0_i32, %c0_i32_0 : i32, i32
  }
  func.func @transform_5(%arg0: i32) -> (i32, i32) {
    %c0_i32 = arith.constant 0 : i32
    %c0_i32_0 = arith.constant 0 : i32
    %c0_i32_1 = arith.constant 0 : i32
    return %c0_i32, %c0_i32_0 : i32, i32
  }
  func.func @transform_6(%arg0: i32) -> (i32, i32, i32) {
    %c0_i32 = arith.constant 0 : i32
    %c0_i32_0 = arith.constant 0 : i32
    %c0_i32_1 = arith.constant 0 : i32
    return %arg0, %c0_i32, %c0_i32_0 : i32, i32, i32
  }
}

module attributes {stable_mosaic.version = 14 : i64} {
  func.func @_dec_body(%arg0: i32, %arg1: memref<64x64xf32, #tpu.memory_space<vmem>>, %arg2: memref<64x1xi32, #tpu.memory_space<vmem>>, %arg3: memref<768x65xf32, #tpu.memory_space<vmem>>, %arg4: memref<2304x68xf32, #tpu.memory_space<vmem>>, %arg5: memref<1x1xf32, #tpu.memory_space<vmem>>, %arg6: memref<4x576x768xf32, #tpu.memory_space<vmem>>, %arg7: memref<64x1024xf32, #tpu.memory_space<vmem>>) attributes {dimension_semantics = [#tpu.dimension_semantics<arbitrary>], iteration_bounds = array<i64: 16>, scalar_prefetch = 0 : i64, scratch_operands = 1 : i64, tpu.core_type = #tpu.core_type<tc>, window_params = [{transform_indices = @transform_0, window_bounds = array<i64: 64, 64>}, {transform_indices = @transform_1, window_bounds = array<i64: 64, 1>}, {pipeline_mode = #tpu.pipeline_mode<synchronous>, transform_indices = @transform_2, window_bounds = array<i64: 768, 65>}, {pipeline_mode = #tpu.pipeline_mode<synchronous>, transform_indices = @transform_3, window_bounds = array<i64: 2304, 68>}, {pipeline_mode = #tpu.pipeline_mode<synchronous>, transform_indices = @transform_4, window_bounds = array<i64: 1, 1>}, {transform_indices = @transform_5, window_bounds = array<i64: 4, 576, 768>}]} {
    %eq3A = arith.constant 0 : i32
    %eq3A_0 = arith.cmpi eq, %arg0, %eq3A : i32
    %convert_element_type3A = arith.extui %eq3A_0 : i1 to i32
    %cond3A = arith.constant 0 : i32
    %cond3A_1 = arith.cmpi ne, %convert_element_type3A, %cond3A : i32
    scf.if %cond3A_1 {
      %broadcast_in_dim3A_41 = arith.constant 0.000000e+00 : f32
      %broadcast_in_dim3A_42 = vector.broadcast %broadcast_in_dim3A_41 : f32 to vector<64x1024xf32>
      %swap3A_43 = arith.constant 0 : index
      %swap3A_44 = arith.constant 0 : index
      %swap3A_45 = vector.load %arg7[%swap3A_43, %swap3A_44] : memref<64x1024xf32, #tpu.memory_space<vmem>>, vector<64x1024xf32>
      tpu.vector_store %arg7[%swap3A_43, %swap3A_44], %broadcast_in_dim3A_42 {strides = array<i32>} : memref<64x1024xf32, #tpu.memory_space<vmem>>, vector<64x1024xf32>,
    } else {
    }
    %get3A = arith.constant 0 : index
    %get3A_2 = arith.constant 0 : index
    %get3A_3 = vector.load %arg1[%get3A, %get3A_2] : memref<64x64xf32, #tpu.memory_space<vmem>>, vector<64x64xf32>
    %iota3A = tpu.iota {dimensions = array<i32: 1>} : vector<64x1024xi32>
    %get3A_4 = arith.constant 0 : index
    %get3A_5 = arith.constant 0 : index
    %get3A_6 = vector.load %arg2[%get3A_4, %get3A_5] : memref<64x1xi32, #tpu.memory_space<vmem>>, vector<64x1xi32>
    %eq3A_7 = vector.broadcast %get3A_6 : vector<64x1xi32> to vector<64x1024xi32>
    %eq3A_8 = arith.cmpi eq, %iota3A, %eq3A_7 : vector<64x1024xi32>
    %convert_element_type3A_9 = arith.extui %eq3A_8 : vector<64x1024xi1> to vector<64x1024xi32>
    %convert_element_type3A_10 = arith.sitofp %convert_element_type3A_9 : vector<64x1024xi32> to vector<64x1024xf32>
    %get3A_11 = arith.constant 0 : index
    %get3A_12 = arith.constant 0 : index
    %get3A_13 = vector.load %arg7[%get3A_11, %get3A_12] : memref<64x1024xf32, #tpu.memory_space<vmem>>, vector<64x1024xf32>
    %add3A = arith.addf %get3A_13, %convert_element_type3A_10 : vector<64x1024xf32>
    %swap3A = arith.constant 0 : index
    %swap3A_14 = arith.constant 0 : index
    %swap3A_15 = vector.load %arg7[%swap3A, %swap3A_14] : memref<64x1024xf32, #tpu.memory_space<vmem>>, vector<64x1024xf32>
    tpu.vector_store %arg7[%swap3A, %swap3A_14], %add3A {strides = array<i32>} : memref<64x1024xf32, #tpu.memory_space<vmem>>, vector<64x1024xf32>,
    %broadcast_in_dim3A = arith.constant 0.000000e+00 : f32
    %broadcast_in_dim3A_16 = vector.broadcast %broadcast_in_dim3A : f32 to vector<4x64xf32>
    %concatenate3A = tpu.concatenate %get3A_3, %broadcast_in_dim3A_16 in 0 : vector<64x64xf32>, vector<4x64xf32> -> vector<68x64xf32>
    %iota3A_17 = tpu.iota {dimensions = array<i32: 0>} : vector<68x1xi32>
    %ge3A = arith.constant 64 : i32
    %ge3A_18 = vector.broadcast %ge3A : i32 to vector<68x1xi32>
    %ge3A_19 = arith.cmpi sge, %iota3A_17, %ge3A_18 : vector<68x1xi32>
    %convert_element_type3A_20 = arith.extui %ge3A_19 : vector<68x1xi1> to vector<68x1xi32>
    %convert_element_type3A_21 = arith.sitofp %convert_element_type3A_20 : vector<68x1xi32> to vector<68x1xf32>
    %concatenate3A_22 = tpu.concatenate %concatenate3A, %convert_element_type3A_21 in 1 : vector<68x64xf32>, vector<68x1xf32> -> vector<68x65xf32>
    %get3A_23 = arith.constant 0 : index
    %get3A_24 = arith.constant 0 : index
    %get3A_25 = vector.load %arg4[%get3A_23, %get3A_24] : memref<2304x68xf32, #tpu.memory_space<vmem>>, vector<2304x68xf32>
    %dot_general3A = arith.constant dense<0.000000e+00> : vector<2304x65xf32>
    %dot_general3A_26 = tpu.matmul %get3A_25, %concatenate3A_22, %dot_general3A {dimension_numbers = #tpu.dot_dimension_numbers<[1], [0], [0], [1], [0, 0, 1, 1], [], []>, transpose_lhs_hint = false} : vector<2304x68xf32>, vector<68x65xf32>, vector<2304x65xf32> -> vector<2304x65xf32>
    %get3A_27 = arith.constant 0 : index
    %get3A_28 = arith.constant 0 : index
    %get3A_29 = vector.load %arg3[%get3A_27, %get3A_28] : memref<768x65xf32, #tpu.memory_space<vmem>>, vector<768x65xf32>
    %dot_general3A_30 = arith.constant dense<0.000000e+00> : vector<2304x768xf32>
    %dot_general3A_31 = tpu.matmul %dot_general3A_26, %get3A_29, %dot_general3A_30 {dimension_numbers = #tpu.dot_dimension_numbers<[1], [1], [0], [0], [0, 0, 1, 0], [], []>, transpose_lhs_hint = false} : vector<2304x65xf32>, vector<768x65xf32>, vector<2304x768xf32> -> vector<2304x768xf32>
    %reshape3A = vector.shape_cast %dot_general3A_31 : vector<2304x768xf32> to vector<4x576x768xf32>
    %swap3A_32 = arith.constant 0 : index
    %swap3A_33 = arith.constant 0 : index
    %swap3A_34 = arith.constant 0 : index
    %swap3A_35 = vector.load %arg6[%swap3A_32, %swap3A_33, %swap3A_34] : memref<4x576x768xf32, #tpu.memory_space<vmem>>, vector<4x576x768xf32>
    tpu.vector_store %arg6[%swap3A_32, %swap3A_33, %swap3A_34], %reshape3A {strides = array<i32>} : memref<4x576x768xf32, #tpu.memory_space<vmem>>, vector<4x576x768xf32>,
    %eq3A_36 = arith.constant 15 : i32
    %eq3A_37 = arith.cmpi eq, %arg0, %eq3A_36 : i32
    %convert_element_type3A_38 = arith.extui %eq3A_37 : i1 to i32
    %cond3A_39 = arith.constant 0 : i32
    %cond3A_40 = arith.cmpi ne, %convert_element_type3A_38, %cond3A_39 : i32
    scf.if %cond3A_40 {
      %get3A_41 = arith.constant 0 : index
      %get3A_42 = arith.constant 0 : index
      %get3A_43 = vector.load %arg7[%get3A_41, %get3A_42] : memref<64x1024xf32, #tpu.memory_space<vmem>>, vector<64x1024xf32>
      %reduce_sum3A = arith.constant dense<0.000000e+00> : vector<1024xf32>
      %reduce_sum3A_44 = vector.multi_reduction <add>, %get3A_43, %reduce_sum3A [0] : vector<64x1024xf32> to vector<1024xf32>
      %broadcast_in_dim3A_45 = vector.shape_cast %reduce_sum3A_44 : vector<1024xf32> to vector<1x1024xf32>
      %mul3A = arith.constant 9.765625E-4 : f32
      %mul3A_46 = vector.broadcast %mul3A : f32 to vector<1x1024xf32>
      %mul3A_47 = arith.mulf %broadcast_in_dim3A_45, %mul3A_46 : vector<1x1024xf32>
      %add3A_48 = arith.constant 9.99999996E-13 : f32
      %add3A_49 = vector.broadcast %add3A_48 : f32 to vector<1x1024xf32>
      %add3A_50 = arith.addf %mul3A_47, %add3A_49 : vector<1x1024xf32>
      %log3A = math.log %add3A_50 : vector<1x1024xf32>
      %mul3A_51 = arith.mulf %mul3A_47, %log3A : vector<1x1024xf32>
      %reduce_sum3A_52 = vector.shape_cast %mul3A_51 : vector<1x1024xf32> to vector<1x1x1024xf32>
      %reduce_sum3A_53 = arith.constant dense<0.000000e+00> : vector<1xf32>
      %reduce_sum3A_54 = vector.multi_reduction <add>, %reduce_sum3A_52, %reduce_sum3A_53 [1, 2] : vector<1x1x1024xf32> to vector<1xf32>
      %reduce_sum3A_55 = vector.shape_cast %reduce_sum3A_54 : vector<1xf32> to vector<1x1x1xf32>
      %reduce_sum3A_56 = vector.extract %reduce_sum3A_55[0, 0, 0] : f32 from vector<1x1x1xf32>
      %broadcast_in_dim3A_57 = vector.broadcast %reduce_sum3A_56 : f32 to vector<1x1xf32>
      %neg3A = arith.constant 0.000000e+00 : f32
      %neg3A_58 = vector.broadcast %neg3A : f32 to vector<1x1xf32>
      %neg3A_59 = arith.subf %neg3A_58, %broadcast_in_dim3A_57 : vector<1x1xf32>
      %exp3A = math.exp %neg3A_59 : vector<1x1xf32>
      %swap3A_60 = arith.constant 0 : index
      %swap3A_61 = arith.constant 0 : index
      %swap3A_62 = vector.load %arg5[%swap3A_60, %swap3A_61] : memref<1x1xf32, #tpu.memory_space<vmem>>, vector<1x1xf32>
      tpu.vector_store %arg5[%swap3A_60, %swap3A_61], %exp3A {strides = array<i32>} : memref<1x1xf32, #tpu.memory_space<vmem>>, vector<1x1xf32>,
    } else {
    }
    return
  }
  func.func @transform_0(%arg0: i32) -> (i32, i32) {
    %c0_i32 = arith.constant 0 : i32
    %c0_i32_0 = arith.constant 0 : i32
    return %arg0, %c0_i32 : i32, i32
  }
  func.func @transform_1(%arg0: i32) -> (i32, i32) {
    %c0_i32 = arith.constant 0 : i32
    %c0_i32_0 = arith.constant 0 : i32
    return %arg0, %c0_i32 : i32, i32
  }
  func.func @transform_2(%arg0: i32) -> (i32, i32) {
    %c0_i32 = arith.constant 0 : i32
    %c0_i32_0 = arith.constant 0 : i32
    %c0_i32_1 = arith.constant 0 : i32
    return %c0_i32, %c0_i32_0 : i32, i32
  }
  func.func @transform_3(%arg0: i32) -> (i32, i32) {
    %c0_i32 = arith.constant 0 : i32
    %c0_i32_0 = arith.constant 0 : i32
    %c0_i32_1 = arith.constant 0 : i32
    return %c0_i32, %c0_i32_0 : i32, i32
  }
  func.func @transform_4(%arg0: i32) -> (i32, i32) {
    %c0_i32 = arith.constant 0 : i32
    %c0_i32_0 = arith.constant 0 : i32
    %c0_i32_1 = arith.constant 0 : i32
    return %c0_i32, %c0_i32_0 : i32, i32
  }
  func.func @transform_5(%arg0: i32) -> (i32, i32, i32) {
    %c0_i32 = arith.constant 0 : i32
    %c0_i32_0 = arith.constant 0 : i32
    %c0_i32_1 = arith.constant 0 : i32
    return %arg0, %c0_i32, %c0_i32_0 : i32, i32, i32
  }
}

</mosaic_0001>

<sc_bundles>
// kernel: kernel.5.cloned.1.call-start
scs
__scs_entry_jumppad:
0x0: {  	(pc) =	sbr.rel $0x88, $3  }
0x1: {  	(tag) =	ssettag $0x0;
	lr =	simm.s32 $0x1  }
0x2: {  	[smem:$0x3F9A] =	sst lr;
	_ =	strace $0xD0000000  }
0x3: {  	_ = 	snop  }
0x4: {  	_ = 	snop  }
0x5: {  	_ = 	snop  }
0x6: {  	_ = 	snop  }
0x7: {  	_ = 	snop  }
__scs_overlays_trampoline_lowered:
0x8: {  	[smem:$0x3FA9] =	sst s0  }
0x9: {  	[smem:$0x3FAA] =	sst s1  }
0xa: {  	[smem:$0x3FAB] =	sst s2  }
0xb: {  	[smem:$0x3FAC] =	sst s3  }
0xc: {  	[smem:$0x3FAD] =	sst s4  }
0xd: {  	[smem:$0x3FAE] =	sst s5  }
0xe: {  	[smem:$0x3FAF] =	sst s6  }
0xf: {  	[smem:$0x3FB0] =	sst s7  }
0x10: {  	[smem:$0x3FB1] =	sst s8  }
0x11: {  	[smem:$0x3FB2] =	sst s9;
	s0 =	simm.s32 @!p0 $0x0  }
0x12: {  	s1 =	sld [smem:$0x3F98];
	s0 =	simm.s32 @p0 $0x1  }
0x13: {  	[smem:$0x3FB3] =	sst s0;
	s0 =	simm.s32 @!p1 $0x0  }
0x14: {  	s2 =	sld [smem:$0x3F97];
	s0 =	simm.s32 @p1 $0x1  }
0x15: {  	[smem:$0x3FB4] =	sst s0;
	s0 =	simm.s32 @!p2 $0x0  }
0x16: {  	s3 =	sld [smem:$0x3FDB];
	s0 =	simm.s32 @p2 $0x1  }
0x17: {  	s4 =	simm.s32 $0x1BF5;
	[smem:$0x3FB6] =	sst s0  }
0x18: {  	s0 =	sld [smem:$0x3F99];
	_ =	swait.ge [sflag:s4], $0x0  }
0x19: {  	s7 =	sld [smem:$0x3F9A]  }
0x1a: {  	s8 =	sadd.s32 $0xFFFFE003, lr  }
0x1b: {  	s9 =	sadd.s32 $0xFFFFFEF7, lr;
	s5 =	simm.s32 $0xFFFFFFFF;
	p2 =	slt.u32 s8, $0xFFFFF086  }
0x1c: {  	p1 =	slt.u32 s9, $0xF7A;
	s5 =	simm.s32 @!p2 $0x0  }
0x1d: {  	s5 =	simm.s32 @p1 $0x1;
	p0 =	seq.s32 s7, s2  }
0x1e: {  	s7 =	smul.u32 @!p0 $0xF7A, s2;
	p2 =	seq.s32 @!p0 s5, $0x0  }
0x1f: {  	s9 =	smul.u32 $0xF7A, s1;
	s8 =	simm.s32 @!p0 $0x1BF5;
	p2 =	por !p2, p0  }
0x20: {  	[sflag:s8] =	ssyncset.s32 @!p0 $0xFFFFF086;
	s6 =	sadd.s32 @!p0 s3, s7;
	s7 =	simm.s32 @!p0 $0x108  }
0x21: {  	s3 =	sadd.s32 s3, s9;
	s6 =	sadd.s32 @!p0 $0x88, s6;
	s7 =	simm.s32 @p2 $0x1082  }
0x22: {  	[simem:s7], [sflag:s8] =	dma.local @!p0 [hbm:s6], $0xF7A  }
0x23: {  	s9 =	sor.u32 $0xD0000000, s2;
	s6 =	simm.s32 $0x108;
	_ =	swait.ge @!p0 [sflag:s8], $0x0  }
0x24: {  	s3 =	sadd.s32 $0x88, s3;
	s6 =	simm.s32 @!p1 $0x1082;
	[sflag:s4] =	ssyncset.s32 $0xFFFFF086  }
0x25: {  	[simem:s6], [sflag:s4] =	dma.local [hbm:s3], $0xF7A  }
0x26: {  	[smem:$0x3F9A] =	sst s1;
	(tag) =	ssettag s2;
	_ =	strace s9  }
0x27: {  	s1 =	sld [smem:$0x3FAA]  }
0x28: {  	s2 =	sld [smem:$0x3FAB]  }
0x29: {  	s4 =	sld [smem:$0x3FAD]  }
0x2a: {  	p0 =	seq.s32 s5, $0x0;
	s5 =	sld [smem:$0x3FAE]  }
0x2b: {  	s6 =	sld [smem:$0x3FAF]  }
0x2c: {  	s7 =	sld [smem:$0x3FB0]  }
0x2d: {  	s3 =	simm.s32 $0x108;
	s8 =	sld [smem:$0x3FB1]  }
0x2e: {  	s3 =	simm.s32 @!p0 $0x1082;
	s9 =	sld [smem:$0x3FB2]  }
0x2f: {  	lr =	sadd.s32 s0, s3;
	s0 =	sld [smem:$0x3FA9]  }
0x30: {  	s3 =	sld [smem:$0x3FAC]  }
0x31: {  	[smem:$0x3FB5] =	sst s10  }
0x32: {  	s10 =	sld [smem:$0x3FB3];
	_ =	sdelay $0x3  }
0x33: {  	p0 =	seq.s32 s10, $0x1;
	s10 =	sld [smem:$0x3FB5];
	_ =	sdelay $0x3  }
0x34: {  	[smem:$0x3FB5] =	sst s10  }
0x35: {  	s10 =	sld [smem:$0x3FB4];
	_ =	sdelay $0x3  }
0x36: {  	p1 =	seq.s32 s10, $0x1;
	s10 =	sld [smem:$0x3FB5];
	_ =	sdelay $0x3  }
0x37: {  	[smem:$0x3FB5] =	sst s10  }
0x38: {  	s10 =	sld [smem:$0x3FB6]  }
0x39: {  	_ = 	snop;
	(pc) =	sbr.ind lr, $3  }
0x3a: {  	_ = 	snop  }
0x3b: {  	_ = 	snop  }
0x3c: {  	p2 =	seq.s32 s10, $0x1;
	s10 =	sld [smem:$0x3FB5]  }
0x3d: {  	_ =	shalt  }
0x3e: {  	_ =	shalt  }
0x3f: {  	_ =	shalt  }
0x40: {  	_ =	shalt  }
0x41: {  	_ =	shalt  }
0x42: {  	_ =	shalt  }
0x43: {  	_ =	shalt  }
0x44: {  	_ =	shalt  }
0x45: {  	_ =	shalt  }
0x46: {  	_ =	shalt  }
0x47: {  	_ =	shalt  }
0x48: {  	_ =	shalt  }
0x49: {  	_ =	shalt  }
0x4a: {  	_ =	shalt  }
0x4b: {  	_ =	shalt  }
0x4c: {  	_ =	shalt  }
0x4d: {  	_ =	shalt  }
0x4e: {  	_ =	shalt  }
0x4f: {  	_ =	shalt  }
0x50: {  	_ =	shalt  }
0x51: {  	_ =	shalt  }
0x52: {  	_ =	shalt  }
0x53: {  	_ =	shalt  }
0x54: {  	_ =	shalt  }
0x55: {  	_ =	shalt  }
0x56: {  	_ =	shalt  }
0x57: {  	_ =	shalt  }
0x58: {  	_ =	shalt  }
0x59: {  	_ =	shalt  }
0x5a: {  	_ =	shalt  }
0x5b: {  	_ =	shalt  }
0x5c: {  	_ =	shalt  }
0x5d: {  	_ =	shalt  }
0x5e: {  	_ =	shalt  }
0x5f: {  	_ =	shalt  }
0x60: {  	_ =	shalt  }
0x61: {  	_ =	shalt  }
0x62: {  	_ =	shalt  }
0x63: {  	_ =	shalt  }
0x64: {  	_ =	shalt  }
0x65: {  	_ =	shalt  }
0x66: {  	_ =	shalt  }
0x67: {  	_ =	shalt  }
0x68: {  	_ =	shalt  }
0x69: {  	_ =	shalt  }
0x6a: {  	_ =	shalt  }
0x6b: {  	_ =	shalt  }
0x6c: {  	_ =	shalt  }
0x6d: {  	_ =	shalt  }
0x6e: {  	_ =	shalt  }
0x6f: {  	_ =	shalt  }
0x70: {  	_ =	shalt  }
0x71: {  	_ =	shalt  }
0x72: {  	_ =	shalt  }
0x73: {  	_ =	shalt  }
0x74: {  	_ =	shalt  }
0x75: {  	_ =	shalt  }
0x76: {  	_ =	shalt  }
0x77: {  	_ =	shalt  }
0x78: {  	_ =	shalt  }
0x79: {  	_ =	shalt  }
0x7a: {  	_ =	shalt  }
0x7b: {  	_ =	shalt  }
0x7c: {  	_ =	shalt  }
0x7d: {  	_ =	shalt  }
0x7e: {  	_ =	shalt  }
0x7f: {  	_ =	shalt  }
0x80: {  	_ =	shalt  }
0x81: {  	_ =	shalt  }
0x82: {  	_ =	shalt  }
0x83: {  	_ =	shalt  }
0x84: {  	_ =	shalt  }
0x85: {  	_ =	shalt  }
0x86: {  	_ =	shalt  }
0x87: {  	_ =	shalt  }
.Lfunc_end0:
.L_simem_size_0:
called_computation_lowered:
.L_overlay_start_0:
0x88: {  	s2 =	sld [smem:$0x3FD9]  }
0x89: {  	s3 =	sld [smem:$0x3FFE];
	_ =	sdelay $0x1  }
0x8a: {  	s1 =	srdreg.scid  }
0x8b: {  	s0 =	sand.u32 $0x1, s1  }
0x8c: {  	s14 =	sshll.u32 s0, $0xA;
	s2 =	sadd.s32 s3, s2  }
0x8d: {  	s2 =	sadd.s32 s2, s14  }
0x8e: {  	[smem:$0x3FC1] =	sst s2  }
0x8f: {  	_ = 	snop  }
0x90: {  	s2 =	sld [smem:$0x3FD0];
	_ =	sdelay $0x2  }
0x91: {  	s15 =	simm.s32 $0xA;
	s4 =	simm.s32 $0x10  }
0x92: {  	[smem:s4], [sflag:s15] =	dma.local [hbm:s2], $0x1  }
0x93: {  	_ =	swait.eq [sflag:s15], $0x1  }
0x94: {  	s16 =	sld [smem:$0x10];
	[sflag:s15] =	ssyncset.done $0x0  }
0x95: {  	s17 =	sld [smem:$0x11];
	[sflag:s15] =	ssyncadd.s32 $0xFFFFFFFF  }
0x96: {  	s18 =	sld [smem:$0x13];
	(tm) =	ssettm $0x1  }
0x97: {  	s5 =	sld [smem:$0x3FFB];
	_ =	sdelay $0x3  }
0x98: {  	_ =	strace s5  }
0x99: {  	s5 =	sld [smem:$0x3FFC];
	_ =	sdelay $0x3  }
0x9a: {  	_ =	strace s5  }
0x9b: {  	s5 =	sld [smem:$0x3FFD];
	_ =	sdelay $0x3  }
0x9c: {  	_ =	strace s5  }
0x9d: {  	_ =	strace $0x8FFFFFFF  }
0x9e: {  	s19 =	sld [smem:$0x3FDB];
	_ =	sdelay $0x1  }
0x9f: {  	s6 =	simm.s32 $_scs_section_size  }
0xa0: {  	s7 =	simm.s32 $_size__tile_overlayer_lowered;
	s8 =	simm.s32 $_tile_overlayer_lowered  }
0xa1: {  	s22 =	simm.s32 $0x1BFF;
	s21 =	sshll.u32 s8, $0x1;
	s5 =	sadd.s32 s6, s19  }
0xa2: {  	s9 =	simm.s32 $0x0;
	s20 =	sshll.u32 s7, $0x1;
	s7 =	sadd.s32 s21, s5  }
0xa3: {  	[timem:s9], [sflag:s22] =	dma.local [hbm:s7], s20  }
0xa4: {  	_ =	swait.ge [sflag:s22], s20  }
0xa5: {  	s6 =	ssub.s32 $0x0, s20;
	[sflag:s22] =	ssyncset.done $0x0  }
0xa6: {  	[sflag:s22] =	ssyncadd.s32 s6;
	_ =	sdelay $0x1  }
0xa7: {  	s23 =	simm.s32 $0x1B8B  }
0xa8: {  	_ =	swait.ge [sflag:s23], $0x1  }
0xa9: {  	[sflag:s23] =	ssyncset.done $0x0  }
0xaa: {  	s25 =	simm.s32 $0x1B8E;
	s24 =	sld [smem:$0x3FFE];
	[sflag:s23] =	ssyncadd.s32 $0xFFFFFFFF  }
0xab: {  	s26 =	simm.s32 $execute0_lowered;
	[smem:$0x3FD2] =	sst s25  }
0xac: {  	s7 =	sshll.u32 s26, $0x1;
	_ =	strace $0x80000046;
	[dreg:$0x1] =	wrdreg $0xFFFFFFFF  }
0xad: {  	s28 =	simm.s32 $_size_execute0_lowered;
	s5 =	sadd.s32 s5, s7;
	[dreg:$0x0] =	wrdreg $0x0  }
0xae: {  	s7 =	sshll.u32 s28, $0x1;
	[dreg:$0x2] =	wrdreg s5  }
0xaf: {  	[dreg:$0x3] =	wrdreg s7  }
0xb0: {  	[dreg:$0x4] =	wrdreg $0xC0  }
0xb1: {  	_ =	task [dreg:s9], $0x5FFFF  }
0xb2: {  	[dreg:$0x1] =	wrdreg $0xFFFFFFFF  }
0xb3: {  	[dreg:$0x0] =	wrdreg $0x60  }
0xb4: {  	[dreg:$0x2] =	wrdreg s18  }
0xb5: {  	[dreg:$0x3] =	wrdreg s24  }
0xb6: {  	[dreg:$0x4] =	wrdreg s17  }
0xb7: {  	[dreg:$0x5] =	wrdreg s16  }
0xb8: {  	[dreg:$0x6] =	wrdreg $0x9  }
0xb9: {  	_ =	task.clear_ibuf [dreg:s9], $0x7FFFF;
	_ =	strace $0x90000046  }
0xba: {  	s29 =	simm.s32 $0x9;
	_ =	strace $0x80000048  }
0xbb: {  	_ =	swait.ge [sflag:s29], $0x1  }
0xbc: {  	[sflag:s29] =	ssyncadd.s32 $0xFFFFFFFF  }
0xbd: {  	_ =	strace $0x90000048  }
0xbe: {  	_ =	sfence  }
0xbf: {  	s30 =	sld [smem:$0x0];
	_ =	sdelay $0x2  }
0xc0: {  	s31 =	sshll.u32 s1, $0xD;
	s1 =	sshrl.u32 s1, $0x2  }
0xc1: {  	s3 =	sand.u32 $0x4000, s31;
	s1 =	sadd.s32 s1, s30  }
0xc2: {  	s0 =	sor.u32 s3, s0;
	s1 =	sshll.u32 s1, $0x11  }
0xc3: {  	s0 =	sor.u32 s1, s0  }
0xc4: {  	s0 =	sadd.s32 $0x8F2B, s0  }
0xc5: {  	[sflag:s0] =	ssyncadd.remote.s32 $0x1  }
0xc6: {  	_ =	sfence.sel $0xFFFF  }
0xc7: {  	[dreg:$0x0] =	wrdreg $0xFFFFFFFF;
	(pc) =	sbr.abs _section_cstart, $3  }
0xc8: {  	[dreg:$0x1] =	wrdreg $0xFFFFFFFF  }
0xc9: {  	_ =	task.clear_ibuf [dreg:s9], $0x2FFFF;
	_ =	strace $0x9FFFFFFF  }
0xca: {  	(tm) =	ssettm $0x7FFFFFFF  }
0xcb: {  	_ =	shalt  }
tec
execute0_lowered:
.L_overlay_start_1:
0x0: {  	(tag) =	ssettag $0x1  }
0x1: {  	s4 =	rddreg [dreg:$0x0]  }
0x2: {  	s3 =	rddreg [dreg:$0x1]  }
0x3: {  	s9 =	rddreg [dreg:$0x2]  }
0x4: {  	s8 =	rddreg [dreg:$0x3]  }
0x5: {  	s0 =	rddreg [dreg:$0x4];
	s5 =	srdreg.scid  }
0x6: {  	s1 =	stileid.u32;
	s2 =	simm.s32 $0x0;
	s13 =	simm.s32 $0x8000  }
0x7: {  	s14 =	simm.s32 $0x8080;
	s15 =	simm.s32 $0x1;
	s16 =	simm.s32 $0x0  }
0x8: {  	s5 =	sand.u32 $0x1, s5;
	s6 =	sshll.u32 s1, $0x1;
	[smem:$0x7FF] =	sst s2  }
0x9: {  	s3 =	sadd.s32 $0x1A00, s3;
	s10 =	sor.u32 s5, s6;
	s5 =	ssub.s32 $0x2, s5  }
0xa: {  	_ =	strace $0x80000047;
	s6 =	sshll.u32 s10, $0xE;
	s7 =	sshrl.u32 s5, $0x1  }
0xb: {  	s12 =	sshll.u32 s10, $0x9;
	s10 =	sshll.u32 s10, $0x2;
	s4 =	sadd.s32 s4, s6  }
0xc: {  	s11 =	ssub.s32 s5, s7;
	s8 =	sadd.s32 s8, s12;
	s9 =	sadd.s32 s9, s10  }
0xd: {  	s12 =	simm.s32 $0x20;
	s5 =	sadd.s32 $0x1000, s4;
	s6 =	sadd.s32 $0x2000, s4  }
0xe: {  	s7 =	sadd.s32 $0x3000, s4;
	s10 =	smax.u32 s11, $0x1;
	s11 =	simm.s32 $0x2  }
.LBB2_1:
0xf: {  	[tilespmem:s2], [sflag:$0x2] =	stream.linear.gather [hbm4b:s4+s2], $0x8000, $0x38;
	[tilespmem:$0x9080] =	vst v63  }
0x10: {  	_ =	swait.ge [sflag:s11], $0x8000  }
0x11: {  	[sflag:s11] =	ssyncset.done $0x0  }
0x12: {  	s19 =	simm.s32 $0x200;
	[sflag:s11] =	ssyncadd.s32 $0xFFFF8000  }
0x13: {  	v0 =	vld [tilespmem:s19+$0xFFFFFE00];
	_ =	sdelay $0x1  }
0x14: {  	v2 =	vld [tilespmem:s19+$0xFFFFFE80];
	_ =	sdelay $0x1  }
0x15: {  	v1 =	vimm.f32 $+Inf;
	v3 =	vld [tilespmem:s19+$0xFFFFFF00]  }
0x16: {  	vm0 =	vlt.f32 v0, v1  }
0x17: {  	v4 =	vld [tilespmem:s19+$0xFFFFFF80];
	v0 =	vsel vm0, v0, v1  }
0x18: {  	vm1 =	vlt.f32 v2, v0  }
0x19: {  	v2 =	vsel vm1, v2, v0  }
0x1a: {  	s17 =	simm.s32 $0x0;
	v5 =	vld [tilespmem:s19+$0x0];
	v0 =	vimm.s32 $0x0;
	vm2 =	vlt.f32 v3, v2  }
0x1b: {  	s28 =	simm.s32 $0x1;
	v2 =	vsel vm2, v3, v2;
	v3 =	vsel vm0, s17, v0  }
0x1c: {  	s29 =	simm.s32 $0x2;
	v6 =	vld [tilespmem:s19+$0x80];
	vm13 =	vlt.f32 v4, v2;
	v3 =	vsel vm1, s28, v3  }
0x1d: {  	s30 =	simm.s32 $0x3;
	v4 =	vsel vm13, v4, v2;
	v2 =	vsel vm2, s29, v3  }
0x1e: {  	v3 =	vsel vm13, s30, v2;
	v2 =	vld [tilespmem:s19+$0x100]  }
0x1f: {  	vm14 =	vlt.f32 v5, v4  }
0x20: {  	s20 =	simm.s32 $0x4;
	s18 =	simm.s32 $0xF;
	v5 =	vsel vm14, v5, v4;
	v4 =	vld [tilespmem:s19+$0x180]  }
0x21: {  	s31 =	simm.s32 $0x5;
	s22 =	simm.s32 $0x17;
	v7 =	vsel vm14, s20, v3;
	s20 =	simm.s32 $0x600;
	vm15 =	vlt.f32 v6, v5  }
0x22: {  	s21 =	simm.s32 $0x7;
	s17 =	simm.s32 $0x7;
	s19 =	simm.s32 $0xF;
	v3 =	vld [tilespmem:s20+$0xFFFFFE00];
	v6 =	vsel vm15, v6, v5;
	v5 =	vsel vm15, s31, v7  }
.LBB2_2:
0x23: {  	p0 =	sne.s32 s22, $0xFF;
	s23 =	sadd.s32 $0xFFFFFFFF, s21;
	vm0 =	vlt.f32 v2, v6  }
0x24: {  	v7 =	vld [tilespmem:s20+$0xFFFFFE80];
	v2 =	vsel vm0, v2, v6;
	v5 =	vsel vm0, s23, v5  }
0x25: {  	vm0 =	vlt.f32 v4, v2  }
0x26: {  	v6 =	vld [tilespmem:s20+$0xFFFFFF00];
	v2 =	vsel vm0, v4, v2;
	v4 =	vsel vm0, s21, v5;
	s21 =	smov.u32 s19;
	s19 =	smov.u32 s22  }
0x27: {  	s23 =	sadd.s32 $0xFFFFFFF9, s21;
	vm0 =	vlt.f32 v3, v2  }
0x28: {  	v2 =	vsel vm0, v3, v2;
	v3 =	vsel vm0, s23, v4;
	v4 =	vld [tilespmem:s20+$0xFFFFFF80]  }
0x29: {  	s23 =	sadd.s32 $0xFFFFFFFA, s21;
	vm0 =	vlt.f32 v7, v2  }
0x2a: {  	v2 =	vsel vm0, v7, v2;
	v3 =	vsel vm0, s23, v3;
	v5 =	vld [tilespmem:s20+$0x0]  }
0x2b: {  	s23 =	sadd.s32 $0xFFFFFFFB, s21;
	vm0 =	vlt.f32 v6, v2  }
0x2c: {  	v2 =	vsel vm0, v6, v2;
	v3 =	vsel vm0, s23, v3;
	v6 =	vld [tilespmem:s20+$0x80]  }
0x2d: {  	s23 =	sadd.s32 $0xFFFFFFFC, s21;
	vm0 =	vlt.f32 v4, v2  }
.Ltmp0:
0x2e: {  	v4 =	vsel vm0, v4, v2;
	v3 =	vsel vm0, s23, v3;
	v2 =	vld [tilespmem:s20+$0x100];
	(pc) =	sbr.rel @p0 .LBB2_2-.Ltmp0, $4  }
0x2f: {  	s23 =	sadd.s32 $0xFFFFFFFD, s21;
	vm0 =	vlt.f32 v5, v4  }
0x30: {  	v5 =	vsel vm0, v5, v4;
	v7 =	vsel vm0, s23, v3;
	v4 =	vld [tilespmem:s20+$0x180]  }
0x31: {  	s23 =	sadd.s32 $0xFFFFFFFE, s21;
	s20 =	sadd.s32 $0x400, s20;
	vm0 =	vlt.f32 v6, v5  }
0x32: {  	s22 =	sadd.s32 $0x8, s22;
	v3 =	vld [tilespmem:s20+$0xFFFFFE00];
	v6 =	vsel vm0, v6, v5;
	v5 =	vsel vm0, s23, v7  }
0x33: {  	vm0 =	vlt.f32 v2, v6  }
0x34: {  	v7 =	vld [tilespmem:s20+$0xFFFFFE80];
	v2 =	vsel vm0, v2, v6  }
0x35: {  	vm1 =	vlt.f32 v4, v2  }
0x36: {  	v6 =	vld [tilespmem:s20+$0xFFFFFF00];
	v2 =	vsel vm1, v4, v2  }
0x37: {  	s22 =	simm.s32 $0x210;
	v4 =	vld [tilespmem:s20+$0xFFFFFF80];
	vm2 =	vlt.f32 v3, v2  }
0x38: {  	v2 =	vsel vm2, v3, v2;
	v3 =	vld [tilespmem:s22+$0xFFFFFE00]  }
0x39: {  	vm3 =	vlt.f32 v7, v2  }
0x3a: {  	s23 =	sadd.s32 $0xFFFFFFFF, s21;
	v2 =	vsel vm3, v7, v2;
	v7 =	vld [tilespmem:s22+$0xFFFFFE80]  }
0x3b: {  	v8 =	vld [tilespmem:s20+$0x0];
	v5 =	vsel vm0, s23, v5;
	vm14 =	vlt.f32 v6, v2  }
0x3c: {  	s26 =	sadd.s32 $0xFFFFFFF9, s19;
	v5 =	vsel vm1, s21, v5;
	v2 =	vsel vm14, v6, v2;
	v6 =	vld [tilespmem:s22+$0xFFFFFF00]  }
0x3d: {  	v9 =	vld [tilespmem:s20+$0x80];
	s28 =	sadd.s32 $0xFFFFFFFA, s19;
	v5 =	vsel vm2, s26, v5;
	vm15 =	vlt.f32 v4, v2;
	vm6 =	vlt.f32 v3, v1  }
0x3e: {  	s29 =	sadd.s32 $0xFFFFFFFB, s19;
	s24 =	simm.s32 $0x0;
	v2 =	vsel vm15, v4, v2;
	v4 =	vsel vm3, s28, v5;
	v1 =	vsel vm6, v3, v1;
	v3 =	vld [tilespmem:s22+$0xFFFFFF80]  }
0x3f: {  	v10 =	vld [tilespmem:s20+$0x100];
	s30 =	sadd.s32 $0xFFFFFFFC, s19;
	v0 =	vsel vm6, s24, v0;
	v4 =	vsel vm14, s29, v4;
	vm8 =	vlt.f32 v7, v1  }
0x40: {  	s25 =	simm.s32 $0x1;
	v5 =	vld [tilespmem:s22+$0x0];
	vm7 =	vlt.f32 v8, v2;
	v4 =	vsel vm15, s30, v4;
	v1 =	vsel vm8, v7, v1  }
0x41: {  	s31 =	sadd.s32 $0xFFFFFFFD, s19;
	v2 =	vsel vm7, v8, v2;
	v7 =	vld [tilespmem:s20+$0x180];
	v0 =	vsel vm8, s25, v0;
	vm10 =	vlt.f32 v6, v1  }
0x42: {  	s23 =	sadd.s32 $0xFFFFFFFE, s19;
	v4 =	vsel vm7, s31, v4;
	vm9 =	vlt.f32 v9, v2;
	v1 =	vsel vm10, v6, v1;
	v6 =	vld [tilespmem:s22+$0x80]  }
0x43: {  	s28 =	simm.s32 $0x2;
	v2 =	vsel vm9, v9, v2;
	v4 =	vsel vm9, s23, v4;
	vm12 =	vlt.f32 v3, v1  }
0x44: {  	s26 =	sadd.s32 $0xFFFFFFFF, s19;
	v0 =	vsel vm10, s28, v0;
	vm11 =	vlt.f32 v10, v2;
	v1 =	vsel vm12, v3, v1;
	v3 =	vld [tilespmem:s22+$0x100]  }
0x45: {  	s29 =	simm.s32 $0x3;
	v2 =	vsel vm11, v10, v2;
	v8 =	vsel vm11, s26, v4;
	vm13 =	vlt.f32 v5, v1  }
0x46: {  	s30 =	simm.s32 $0x4;
	v0 =	vsel vm12, s29, v0;
	v4 =	vld [tilespmem:s22+$0x180];
	vm14 =	vlt.f32 v7, v2;
	v5 =	vsel vm13, v5, v1  }
0x47: {  	s20 =	simm.s32 $0x610;
	s31 =	simm.s32 $0x5;
	v1 =	vsel vm14, v7, v2;
	v7 =	vsel vm13, s30, v0;
	vm15 =	vlt.f32 v6, v5  }
0x48: {  	v0 =	vsel vm14, s19, v8;
	v2 =	vld [tilespmem:s20+$0xFFFFFE00];
	s19 =	simm.s32 $0x17;
	v6 =	vsel vm15, v6, v5;
	v5 =	vsel vm15, s31, v7  }
.LBB2_4:
0x49: {  	p0 =	sne.s32 s19, $0xFF;
	s21 =	sadd.s32 $0xFFFFFFFF, s17;
	vm0 =	vlt.f32 v3, v6  }
0x4a: {  	v7 =	vld [tilespmem:s20+$0xFFFFFE80];
	v3 =	vsel vm0, v3, v6;
	v5 =	vsel vm0, s21, v5  }
0x4b: {  	vm0 =	vlt.f32 v4, v3  }
0x4c: {  	v6 =	vld [tilespmem:s20+$0xFFFFFF00];
	v3 =	vsel vm0, v4, v3;
	v4 =	vsel vm0, s17, v5;
	s17 =	smov.u32 s18;
	s18 =	smov.u32 s19  }
0x4d: {  	s21 =	sadd.s32 $0xFFFFFFF9, s17;
	vm0 =	vlt.f32 v2, v3  }
0x4e: {  	v2 =	vsel vm0, v2, v3;
	v3 =	vsel vm0, s21, v4;
	v4 =	vld [tilespmem:s20+$0xFFFFFF80]  }
0x4f: {  	s21 =	sadd.s32 $0xFFFFFFFA, s17;
	vm0 =	vlt.f32 v7, v2  }
0x50: {  	v2 =	vsel vm0, v7, v2;
	v3 =	vsel vm0, s21, v3;
	v5 =	vld [tilespmem:s20+$0x0]  }
0x51: {  	s21 =	sadd.s32 $0xFFFFFFFB, s17;
	vm0 =	vlt.f32 v6, v2  }
0x52: {  	v2 =	vsel vm0, v6, v2;
	v3 =	vsel vm0, s21, v3;
	v6 =	vld [tilespmem:s20+$0x80]  }
0x53: {  	s21 =	sadd.s32 $0xFFFFFFFC, s17;
	vm0 =	vlt.f32 v4, v2  }
.Ltmp1:
0x54: {  	v2 =	vsel vm0, v4, v2;
	v4 =	vsel vm0, s21, v3;
	v3 =	vld [tilespmem:s20+$0x100];
	(pc) =	sbr.rel @p0 .LBB2_4-.Ltmp1, $4  }
0x55: {  	s21 =	sadd.s32 $0xFFFFFFFD, s17;
	vm0 =	vlt.f32 v5, v2  }
0x56: {  	v5 =	vsel vm0, v5, v2;
	v7 =	vsel vm0, s21, v4;
	v4 =	vld [tilespmem:s20+$0x180]  }
0x57: {  	s21 =	sadd.s32 $0xFFFFFFFE, s17;
	s20 =	sadd.s32 $0x400, s20;
	vm0 =	vlt.f32 v6, v5  }
0x58: {  	s19 =	sadd.s32 $0x8, s19;
	v2 =	vld [tilespmem:s20+$0xFFFFFE00];
	v6 =	vsel vm0, v6, v5;
	v5 =	vsel vm0, s21, v7  }
0x59: {  	v7 =	vld [tilespmem:s20+$0xFFFFFE80]  }
0x5a: {  	v8 =	vld [tilespmem:s20+$0xFFFFFF00]  }
0x5b: {  	v9 =	vld [tilespmem:s20+$0xFFFFFF80]  }
0x5c: {  	v10 =	vld [tilespmem:s20+$0x0]  }
0x5d: {  	v11 =	vld [tilespmem:s20+$0x80]  }
0x5e: {  	v12 =	vld [tilespmem:s20+$0x100];
	vm0 =	vlt.f32 v3, v6  }
0x5f: {  	v13 =	vld [tilespmem:s20+$0x180];
	[tilespmem:s2], [sflag:$0x2] =	stream.linear.gather [hbm4b:s5+s2], $0x8000, $0x38;
	v3 =	vsel vm0, v3, v6  }
0x60: {  	_ =	swait.ge [sflag:s11], $0x8000;
	vm1 =	vlt.f32 v4, v3  }
0x61: {  	[sflag:s11] =	ssyncset.done $0x0;
	v3 =	vsel vm1, v4, v3  }
0x62: {  	s20 =	simm.s32 $0x200;
	[sflag:s11] =	ssyncadd.s32 $0xFFFF8000;
	vm2 =	vlt.f32 v2, v3  }
0x63: {  	v2 =	vsel vm2, v2, v3;
	v3 =	vld [tilespmem:s20+$0xFFFFFE00]  }
0x64: {  	vm3 =	vlt.f32 v7, v2  }
0x65: {  	s19 =	sadd.s32 $0xFFFFFFFF, s17;
	v4 =	vld [tilespmem:s20+$0xFFFFFE80];
	v2 =	vsel vm3, v7, v2  }
0x66: {  	v5 =	vsel vm0, s19, v5;
	vm14 =	vlt.f32 v8, v2  }
0x67: {  	s31 =	sadd.s32 $0xFFFFFFF9, s18;
	v5 =	vsel vm1, s17, v5;
	v6 =	vld [tilespmem:s20+$0xFFFFFF00];
	v2 =	vsel vm14, v8, v2  }
0x68: {  	s19 =	sadd.s32 $0xFFFFFFFA, s18;
	v5 =	vsel vm2, s31, v5;
	vm15 =	vlt.f32 v9, v2;
	vm6 =	vlt.f32 v3, v1  }
0x69: {  	s21 =	sadd.s32 $0xFFFFFFFB, s18;
	v5 =	vsel vm3, s19, v5;
	v2 =	vsel vm15, v9, v2;
	v1 =	vsel vm6, v3, v1;
	v3 =	vld [tilespmem:s20+$0xFFFFFF80]  }
0x6a: {  	s22 =	sadd.s32 $0xFFFFFFFC, s18;
	v5 =	vsel vm14, s21, v5;
	vm7 =	vlt.f32 v10, v2;
	vm8 =	vlt.f32 v4, v1  }
0x6b: {  	s25 =	simm.s32 $0x100;
	v5 =	vsel vm15, s22, v5;
	v2 =	vsel vm7, v10, v2;
	v1 =	vsel vm8, v4, v1;
	v4 =	vld [tilespmem:s20+$0x0]  }
0x6c: {  	s23 =	sadd.s32 $0xFFFFFFFD, s18;
	v0 =	vsel vm6, s25, v0;
	vm9 =	vlt.f32 v11, v2;
	vm10 =	vlt.f32 v6, v1  }
0x6d: {  	s26 =	simm.s32 $0x101;
	v5 =	vsel vm7, s23, v5;
	v2 =	vsel vm9, v11, v2;
	v1 =	vsel vm10, v6, v1;
	v6 =	vld [tilespmem:s20+$0x80]  }
0x6e: {  	s24 =	sadd.s32 $0xFFFFFFFE, s18;
	v0 =	vsel vm8, s26, v0;
	vm11 =	vlt.f32 v12, v2;
	vm12 =	vlt.f32 v3, v1  }
0x6f: {  	s28 =	sadd.s32 $0xFFFFFFFF, s18;
	s29 =	simm.s32 $0x102;
	v5 =	vsel vm9, s24, v5;
	v7 =	vsel vm11, v12, v2;
	v1 =	vsel vm12, v3, v1;
	v2 =	vld [tilespmem:s20+$0x100]  }
0x70: {  	s30 =	simm.s32 $0x103;
	v0 =	vsel vm10, s29, v0;
	v3 =	vsel vm11, s28, v5;
	vm13 =	vlt.f32 v4, v1  }
0x71: {  	s17 =	simm.s32 $0x10F;
	s21 =	simm.s32 $0x104;
	v0 =	vsel vm12, s30, v0;
	vm14 =	vlt.f32 v13, v7;
	v5 =	vsel vm13, v4, v1;
	v4 =	vld [tilespmem:s20+$0x180]  }
0x72: {  	s31 =	simm.s32 $0x105;
	s19 =	simm.s32 $0x107;
	v1 =	vsel vm14, v13, v7;
	v7 =	vsel vm13, s21, v0;
	s20 =	simm.s32 $0x600;
	vm15 =	vlt.f32 v6, v5  }
0x73: {  	s22 =	simm.s32 $0x117;
	v0 =	vsel vm14, s18, v3;
	s21 =	simm.s32 $0x107;
	s18 =	simm.s32 $0x10F;
	v3 =	vld [tilespmem:s20+$0xFFFFFE00];
	v6 =	vsel vm15, v6, v5;
	v5 =	vsel vm15, s31, v7  }
.LBB2_6:
0x74: {  	p0 =	sne.s32 s22, $0x1FF;
	vm0 =	vlt.f32 v2, v6;
	s23 =	sadd.s32 $0xFFFFFFFF, s21  }
0x75: {  	v7 =	vld [tilespmem:s20+$0xFFFFFE80];
	v2 =	vsel vm0, v2, v6;
	v5 =	vsel vm0, s23, v5  }
0x76: {  	vm0 =	vlt.f32 v4, v2  }
0x77: {  	v6 =	vld [tilespmem:s20+$0xFFFFFF00];
	v2 =	vsel vm0, v4, v2;
	v4 =	vsel vm0, s21, v5;
	s21 =	smov.u32 s18;
	s18 =	smov.u32 s22  }
0x78: {  	vm0 =	vlt.f32 v3, v2;
	s23 =	sadd.s32 $0xFFFFFFF9, s21  }
0x79: {  	v2 =	vsel vm0, v3, v2;
	v3 =	vsel vm0, s23, v4;
	v4 =	vld [tilespmem:s20+$0xFFFFFF80]  }
0x7a: {  	s23 =	sadd.s32 $0xFFFFFFFA, s21;
	vm0 =	vlt.f32 v7, v2  }
0x7b: {  	v2 =	vsel vm0, v7, v2;
	v3 =	vsel vm0, s23, v3;
	v5 =	vld [tilespmem:s20+$0x0]  }
0x7c: {  	s23 =	sadd.s32 $0xFFFFFFFB, s21;
	vm0 =	vlt.f32 v6, v2  }
0x7d: {  	v2 =	vsel vm0, v6, v2;
	v3 =	vsel vm0, s23, v3;
	v6 =	vld [tilespmem:s20+$0x80]  }
0x7e: {  	s23 =	sadd.s32 $0xFFFFFFFC, s21;
	vm0 =	vlt.f32 v4, v2  }
.Ltmp2:
0x7f: {  	v4 =	vsel vm0, v4, v2;
	v3 =	vsel vm0, s23, v3;
	v2 =	vld [tilespmem:s20+$0x100];
	(pc) =	sbr.rel @p0 .LBB2_6-.Ltmp2, $4  }
0x80: {  	s23 =	sadd.s32 $0xFFFFFFFD, s21;
	vm0 =	vlt.f32 v5, v4  }
0x81: {  	v5 =	vsel vm0, v5, v4;
	v7 =	vsel vm0, s23, v3;
	v4 =	vld [tilespmem:s20+$0x180]  }
0x82: {  	s23 =	sadd.s32 $0xFFFFFFFE, s21;
	s20 =	sadd.s32 $0x400, s20;
	vm0 =	vlt.f32 v6, v5  }
0x83: {  	s22 =	sadd.s32 $0x8, s22;
	v3 =	vld [tilespmem:s20+$0xFFFFFE00];
	v6 =	vsel vm0, v6, v5;
	v5 =	vsel vm0, s23, v7  }
0x84: {  	vm0 =	vlt.f32 v2, v6  }
0x85: {  	v7 =	vld [tilespmem:s20+$0xFFFFFE80];
	v2 =	vsel vm0, v2, v6  }
0x86: {  	vm1 =	vlt.f32 v4, v2  }
0x87: {  	v6 =	vld [tilespmem:s20+$0xFFFFFF00];
	v2 =	vsel vm1, v4, v2  }
0x88: {  	s22 =	simm.s32 $0x210;
	v4 =	vld [tilespmem:s20+$0xFFFFFF80];
	vm2 =	vlt.f32 v3, v2  }
0x89: {  	v2 =	vsel vm2, v3, v2;
	v3 =	vld [tilespmem:s22+$0xFFFFFE00]  }
0x8a: {  	vm3 =	vlt.f32 v7, v2  }
0x8b: {  	s23 =	sadd.s32 $0xFFFFFFFF, s21;
	v2 =	vsel vm3, v7, v2;
	v7 =	vld [tilespmem:s22+$0xFFFFFE80]  }
0x8c: {  	v8 =	vld [tilespmem:s20+$0x0];
	v5 =	vsel vm0, s23, v5;
	vm14 =	vlt.f32 v6, v2  }
0x8d: {  	s26 =	sadd.s32 $0xFFFFFFF9, s18;
	v5 =	vsel vm1, s21, v5;
	v2 =	vsel vm14, v6, v2;
	v6 =	vld [tilespmem:s22+$0xFFFFFF00]  }
0x8e: {  	v9 =	vld [tilespmem:s20+$0x80];
	s28 =	sadd.s32 $0xFFFFFFFA, s18;
	v5 =	vsel vm2, s26, v5;
	vm15 =	vlt.f32 v4, v2;
	vm6 =	vlt.f32 v3, v1  }
0x8f: {  	s29 =	sadd.s32 $0xFFFFFFFB, s18;
	s24 =	simm.s32 $0x100;
	v2 =	vsel vm15, v4, v2;
	v4 =	vsel vm3, s28, v5;
	v1 =	vsel vm6, v3, v1;
	v3 =	vld [tilespmem:s22+$0xFFFFFF80]  }
0x90: {  	v10 =	vld [tilespmem:s20+$0x100];
	s30 =	sadd.s32 $0xFFFFFFFC, s18;
	v0 =	vsel vm6, s24, v0;
	v4 =	vsel vm14, s29, v4;
	vm8 =	vlt.f32 v7, v1  }
0x91: {  	s25 =	simm.s32 $0x101;
	v5 =	vld [tilespmem:s22+$0x0];
	vm7 =	vlt.f32 v8, v2;
	v4 =	vsel vm15, s30, v4;
	v1 =	vsel vm8, v7, v1  }
0x92: {  	s31 =	sadd.s32 $0xFFFFFFFD, s18;
	v2 =	vsel vm7, v8, v2;
	v7 =	vld [tilespmem:s20+$0x180];
	v0 =	vsel vm8, s25, v0;
	vm10 =	vlt.f32 v6, v1  }
0x93: {  	s23 =	sadd.s32 $0xFFFFFFFE, s18;
	v4 =	vsel vm7, s31, v4;
	vm9 =	vlt.f32 v9, v2;
	v1 =	vsel vm10, v6, v1;
	v6 =	vld [tilespmem:s22+$0x80]  }
0x94: {  	s28 =	simm.s32 $0x102;
	v2 =	vsel vm9, v9, v2;
	v4 =	vsel vm9, s23, v4;
	vm12 =	vlt.f32 v3, v1  }
0x95: {  	s26 =	sadd.s32 $0xFFFFFFFF, s18;
	v0 =	vsel vm10, s28, v0;
	vm11 =	vlt.f32 v10, v2;
	v1 =	vsel vm12, v3, v1;
	v3 =	vld [tilespmem:s22+$0x100]  }
0x96: {  	s29 =	simm.s32 $0x103;
	v2 =	vsel vm11, v10, v2;
	v8 =	vsel vm11, s26, v4;
	vm13 =	vlt.f32 v5, v1  }
0x97: {  	s30 =	simm.s32 $0x104;
	v0 =	vsel vm12, s29, v0;
	v4 =	vld [tilespmem:s22+$0x180];
	vm14 =	vlt.f32 v7, v2;
	v5 =	vsel vm13, v5, v1  }
0x98: {  	s20 =	simm.s32 $0x610;
	s31 =	simm.s32 $0x105;
	v1 =	vsel vm14, v7, v2;
	v7 =	vsel vm13, s30, v0;
	vm15 =	vlt.f32 v6, v5  }
0x99: {  	v0 =	vsel vm14, s18, v8;
	v2 =	vld [tilespmem:s20+$0xFFFFFE00];
	s18 =	simm.s32 $0x117;
	v6 =	vsel vm15, v6, v5;
	v5 =	vsel vm15, s31, v7  }
.LBB2_8:
0x9a: {  	p0 =	sne.s32 s18, $0x1FF;
	vm0 =	vlt.f32 v3, v6;
	s21 =	sadd.s32 $0xFFFFFFFF, s19  }
0x9b: {  	v7 =	vld [tilespmem:s20+$0xFFFFFE80];
	v3 =	vsel vm0, v3, v6;
	v5 =	vsel vm0, s21, v5  }
0x9c: {  	vm0 =	vlt.f32 v4, v3  }
0x9d: {  	v6 =	vld [tilespmem:s20+$0xFFFFFF00];
	v3 =	vsel vm0, v4, v3;
	v4 =	vsel vm0, s19, v5;
	s19 =	smov.u32 s17;
	s17 =	smov.u32 s18  }
0x9e: {  	vm0 =	vlt.f32 v2, v3;
	s21 =	sadd.s32 $0xFFFFFFF9, s19  }
0x9f: {  	v2 =	vsel vm0, v2, v3;
	v3 =	vsel vm0, s21, v4;
	v4 =	vld [tilespmem:s20+$0xFFFFFF80]  }
0xa0: {  	s21 =	sadd.s32 $0xFFFFFFFA, s19;
	vm0 =	vlt.f32 v7, v2  }
0xa1: {  	v2 =	vsel vm0, v7, v2;
	v3 =	vsel vm0, s21, v3;
	v5 =	vld [tilespmem:s20+$0x0]  }
0xa2: {  	s21 =	sadd.s32 $0xFFFFFFFB, s19;
	vm0 =	vlt.f32 v6, v2  }
0xa3: {  	v2 =	vsel vm0, v6, v2;
	v3 =	vsel vm0, s21, v3;
	v6 =	vld [tilespmem:s20+$0x80]  }
0xa4: {  	s21 =	sadd.s32 $0xFFFFFFFC, s19;
	vm0 =	vlt.f32 v4, v2  }
.Ltmp3:
0xa5: {  	v2 =	vsel vm0, v4, v2;
	v4 =	vsel vm0, s21, v3;
	v3 =	vld [tilespmem:s20+$0x100];
	(pc) =	sbr.rel @p0 .LBB2_8-.Ltmp3, $4  }
0xa6: {  	s21 =	sadd.s32 $0xFFFFFFFD, s19;
	vm0 =	vlt.f32 v5, v2  }
0xa7: {  	v5 =	vsel vm0, v5, v2;
	v7 =	vsel vm0, s21, v4;
	v4 =	vld [tilespmem:s20+$0x180]  }
0xa8: {  	s21 =	sadd.s32 $0xFFFFFFFE, s19;
	s20 =	sadd.s32 $0x400, s20;
	vm0 =	vlt.f32 v6, v5  }
0xa9: {  	s18 =	sadd.s32 $0x8, s18;
	v2 =	vld [tilespmem:s20+$0xFFFFFE00];
	v6 =	vsel vm0, v6, v5;
	v5 =	vsel vm0, s21, v7  }
0xaa: {  	v7 =	vld [tilespmem:s20+$0xFFFFFE80]  }
0xab: {  	v8 =	vld [tilespmem:s20+$0xFFFFFF00]  }
0xac: {  	v9 =	vld [tilespmem:s20+$0xFFFFFF80]  }
0xad: {  	v10 =	vld [tilespmem:s20+$0x0]  }
0xae: {  	v11 =	vld [tilespmem:s20+$0x80]  }
0xaf: {  	v12 =	vld [tilespmem:s20+$0x100];
	vm0 =	vlt.f32 v3, v6  }
0xb0: {  	v13 =	vld [tilespmem:s20+$0x180];
	[tilespmem:s2], [sflag:$0x2] =	stream.linear.gather [hbm4b:s6+s2], $0x8000, $0x38;
	v3 =	vsel vm0, v3, v6  }
0xb1: {  	_ =	swait.ge [sflag:s11], $0x8000;
	vm1 =	vlt.f32 v4, v3  }
0xb2: {  	[sflag:s11] =	ssyncset.done $0x0;
	v3 =	vsel vm1, v4, v3  }
0xb3: {  	s20 =	simm.s32 $0x200;
	[sflag:s11] =	ssyncadd.s32 $0xFFFF8000;
	vm2 =	vlt.f32 v2, v3  }
0xb4: {  	v2 =	vsel vm2, v2, v3;
	v3 =	vld [tilespmem:s20+$0xFFFFFE00]  }
0xb5: {  	vm3 =	vlt.f32 v7, v2  }
0xb6: {  	s18 =	sadd.s32 $0xFFFFFFFF, s19;
	v4 =	vld [tilespmem:s20+$0xFFFFFE80];
	v2 =	vsel vm3, v7, v2  }
0xb7: {  	v5 =	vsel vm0, s18, v5;
	vm14 =	vlt.f32 v8, v2  }
0xb8: {  	s31 =	sadd.s32 $0xFFFFFFF9, s17;
	v5 =	vsel vm1, s19, v5;
	v6 =	vld [tilespmem:s20+$0xFFFFFF00];
	v2 =	vsel vm14, v8, v2  }
0xb9: {  	s19 =	sadd.s32 $0xFFFFFFFA, s17;
	v5 =	vsel vm2, s31, v5;
	vm15 =	vlt.f32 v9, v2;
	vm6 =	vlt.f32 v3, v1  }
0xba: {  	s21 =	sadd.s32 $0xFFFFFFFB, s17;
	v5 =	vsel vm3, s19, v5;
	v2 =	vsel vm15, v9, v2;
	v1 =	vsel vm6, v3, v1;
	v3 =	vld [tilespmem:s20+$0xFFFFFF80]  }
0xbb: {  	s22 =	sadd.s32 $0xFFFFFFFC, s17;
	v5 =	vsel vm14, s21, v5;
	vm7 =	vlt.f32 v10, v2;
	vm8 =	vlt.f32 v4, v1  }
0xbc: {  	s25 =	simm.s32 $0x200;
	v5 =	vsel vm15, s22, v5;
	v2 =	vsel vm7, v10, v2;
	v1 =	vsel vm8, v4, v1;
	v4 =	vld [tilespmem:s20+$0x0]  }
0xbd: {  	s23 =	sadd.s32 $0xFFFFFFFD, s17;
	v0 =	vsel vm6, s25, v0;
	vm9 =	vlt.f32 v11, v2;
	vm10 =	vlt.f32 v6, v1  }
0xbe: {  	s26 =	simm.s32 $0x201;
	v5 =	vsel vm7, s23, v5;
	v2 =	vsel vm9, v11, v2;
	v1 =	vsel vm10, v6, v1;
	v6 =	vld [tilespmem:s20+$0x80]  }
0xbf: {  	s24 =	sadd.s32 $0xFFFFFFFE, s17;
	v0 =	vsel vm8, s26, v0;
	vm11 =	vlt.f32 v12, v2;
	vm12 =	vlt.f32 v3, v1  }
0xc0: {  	s28 =	sadd.s32 $0xFFFFFFFF, s17;
	s29 =	simm.s32 $0x202;
	v5 =	vsel vm9, s24, v5;
	v7 =	vsel vm11, v12, v2;
	v1 =	vsel vm12, v3, v1;
	v2 =	vld [tilespmem:s20+$0x100]  }
0xc1: {  	s30 =	simm.s32 $0x203;
	v0 =	vsel vm10, s29, v0;
	v3 =	vsel vm11, s28, v5;
	vm13 =	vlt.f32 v4, v1  }
0xc2: {  	s18 =	simm.s32 $0x20F;
	s21 =	simm.s32 $0x204;
	v0 =	vsel vm12, s30, v0;
	vm14 =	vlt.f32 v13, v7;
	v5 =	vsel vm13, v4, v1;
	v4 =	vld [tilespmem:s20+$0x180]  }
0xc3: {  	s31 =	simm.s32 $0x205;
	s19 =	simm.s32 $0x207;
	v1 =	vsel vm14, v13, v7;
	v7 =	vsel vm13, s21, v0;
	s20 =	simm.s32 $0x600;
	vm15 =	vlt.f32 v6, v5  }
0xc4: {  	s22 =	simm.s32 $0x217;
	v0 =	vsel vm14, s17, v3;
	s21 =	simm.s32 $0x207;
	s17 =	simm.s32 $0x20F;
	v3 =	vld [tilespmem:s20+$0xFFFFFE00];
	v6 =	vsel vm15, v6, v5;
	v5 =	vsel vm15, s31, v7  }
.LBB2_10:
0xc5: {  	p0 =	sne.s32 s22, $0x2FF;
	vm0 =	vlt.f32 v2, v6;
	s23 =	sadd.s32 $0xFFFFFFFF, s21  }
0xc6: {  	v7 =	vld [tilespmem:s20+$0xFFFFFE80];
	v2 =	vsel vm0, v2, v6;
	v5 =	vsel vm0, s23, v5  }
0xc7: {  	vm0 =	vlt.f32 v4, v2  }
0xc8: {  	v6 =	vld [tilespmem:s20+$0xFFFFFF00];
	v2 =	vsel vm0, v4, v2;
	v4 =	vsel vm0, s21, v5;
	s21 =	smov.u32 s17;
	s17 =	smov.u32 s22  }
0xc9: {  	vm0 =	vlt.f32 v3, v2;
	s23 =	sadd.s32 $0xFFFFFFF9, s21  }
0xca: {  	v2 =	vsel vm0, v3, v2;
	v3 =	vsel vm0, s23, v4;
	v4 =	vld [tilespmem:s20+$0xFFFFFF80]  }
0xcb: {  	s23 =	sadd.s32 $0xFFFFFFFA, s21;
	vm0 =	vlt.f32 v7, v2  }
0xcc: {  	v2 =	vsel vm0, v7, v2;
	v3 =	vsel vm0, s23, v3;
	v5 =	vld [tilespmem:s20+$0x0]  }
0xcd: {  	s23 =	sadd.s32 $0xFFFFFFFB, s21;
	vm0 =	vlt.f32 v6, v2  }
0xce: {  	v2 =	vsel vm0, v6, v2;
	v3 =	vsel vm0, s23, v3;
	v6 =	vld [tilespmem:s20+$0x80]  }
0xcf: {  	s23 =	sadd.s32 $0xFFFFFFFC, s21;
	vm0 =	vlt.f32 v4, v2  }
.Ltmp4:
0xd0: {  	v4 =	vsel vm0, v4, v2;
	v3 =	vsel vm0, s23, v3;
	v2 =	vld [tilespmem:s20+$0x100];
	(pc) =	sbr.rel @p0 .LBB2_10-.Ltmp4, $4  }
0xd1: {  	s23 =	sadd.s32 $0xFFFFFFFD, s21;
	vm0 =	vlt.f32 v5, v4  }
0xd2: {  	v5 =	vsel vm0, v5, v4;
	v7 =	vsel vm0, s23, v3;
	v4 =	vld [tilespmem:s20+$0x180]  }
0xd3: {  	s23 =	sadd.s32 $0xFFFFFFFE, s21;
	s20 =	sadd.s32 $0x400, s20;
	vm0 =	vlt.f32 v6, v5  }
0xd4: {  	s22 =	sadd.s32 $0x8, s22;
	v3 =	vld [tilespmem:s20+$0xFFFFFE00];
	v6 =	vsel vm0, v6, v5;
	v5 =	vsel vm0, s23, v7  }
0xd5: {  	vm0 =	vlt.f32 v2, v6  }
0xd6: {  	v7 =	vld [tilespmem:s20+$0xFFFFFE80];
	v2 =	vsel vm0, v2, v6  }
0xd7: {  	vm1 =	vlt.f32 v4, v2  }
0xd8: {  	v6 =	vld [tilespmem:s20+$0xFFFFFF00];
	v2 =	vsel vm1, v4, v2  }
0xd9: {  	s22 =	simm.s32 $0x210;
	v4 =	vld [tilespmem:s20+$0xFFFFFF80];
	vm2 =	vlt.f32 v3, v2  }
0xda: {  	v2 =	vsel vm2, v3, v2;
	v3 =	vld [tilespmem:s22+$0xFFFFFE00]  }
0xdb: {  	vm3 =	vlt.f32 v7, v2  }
0xdc: {  	s23 =	sadd.s32 $0xFFFFFFFF, s21;
	v2 =	vsel vm3, v7, v2;
	v7 =	vld [tilespmem:s22+$0xFFFFFE80]  }
0xdd: {  	v8 =	vld [tilespmem:s20+$0x0];
	v5 =	vsel vm0, s23, v5;
	vm14 =	vlt.f32 v6, v2  }
0xde: {  	s26 =	sadd.s32 $0xFFFFFFF9, s17;
	v5 =	vsel vm1, s21, v5;
	v2 =	vsel vm14, v6, v2;
	v6 =	vld [tilespmem:s22+$0xFFFFFF00]  }
0xdf: {  	v9 =	vld [tilespmem:s20+$0x80];
	s28 =	sadd.s32 $0xFFFFFFFA, s17;
	v5 =	vsel vm2, s26, v5;
	vm15 =	vlt.f32 v4, v2;
	vm6 =	vlt.f32 v3, v1  }
0xe0: {  	s29 =	sadd.s32 $0xFFFFFFFB, s17;
	s24 =	simm.s32 $0x200;
	v2 =	vsel vm15, v4, v2;
	v4 =	vsel vm3, s28, v5;
	v1 =	vsel vm6, v3, v1;
	v3 =	vld [tilespmem:s22+$0xFFFFFF80]  }
0xe1: {  	v10 =	vld [tilespmem:s20+$0x100];
	s30 =	sadd.s32 $0xFFFFFFFC, s17;
	v0 =	vsel vm6, s24, v0;
	v4 =	vsel vm14, s29, v4;
	vm8 =	vlt.f32 v7, v1  }
0xe2: {  	s25 =	simm.s32 $0x201;
	v5 =	vld [tilespmem:s22+$0x0];
	vm7 =	vlt.f32 v8, v2;
	v4 =	vsel vm15, s30, v4;
	v1 =	vsel vm8, v7, v1  }
0xe3: {  	s31 =	sadd.s32 $0xFFFFFFFD, s17;
	v2 =	vsel vm7, v8, v2;
	v7 =	vld [tilespmem:s20+$0x180];
	v0 =	vsel vm8, s25, v0;
	vm10 =	vlt.f32 v6, v1  }
0xe4: {  	s23 =	sadd.s32 $0xFFFFFFFE, s17;
	v4 =	vsel vm7, s31, v4;
	vm9 =	vlt.f32 v9, v2;
	v1 =	vsel vm10, v6, v1;
	v6 =	vld [tilespmem:s22+$0x80]  }
0xe5: {  	s28 =	simm.s32 $0x202;
	v2 =	vsel vm9, v9, v2;
	v4 =	vsel vm9, s23, v4;
	vm12 =	vlt.f32 v3, v1  }
0xe6: {  	s26 =	sadd.s32 $0xFFFFFFFF, s17;
	v0 =	vsel vm10, s28, v0;
	vm11 =	vlt.f32 v10, v2;
	v1 =	vsel vm12, v3, v1;
	v3 =	vld [tilespmem:s22+$0x100]  }
0xe7: {  	s29 =	simm.s32 $0x203;
	v2 =	vsel vm11, v10, v2;
	v8 =	vsel vm11, s26, v4;
	vm13 =	vlt.f32 v5, v1  }
0xe8: {  	s30 =	simm.s32 $0x204;
	v0 =	vsel vm12, s29, v0;
	v4 =	vld [tilespmem:s22+$0x180];
	vm14 =	vlt.f32 v7, v2;
	v5 =	vsel vm13, v5, v1  }
0xe9: {  	s20 =	simm.s32 $0x610;
	s31 =	simm.s32 $0x205;
	v1 =	vsel vm14, v7, v2;
	v7 =	vsel vm13, s30, v0;
	vm15 =	vlt.f32 v6, v5  }
0xea: {  	v0 =	vsel vm14, s17, v8;
	v2 =	vld [tilespmem:s20+$0xFFFFFE00];
	s17 =	simm.s32 $0x217;
	v6 =	vsel vm15, v6, v5;
	v5 =	vsel vm15, s31, v7  }
.LBB2_12:
0xeb: {  	p0 =	sne.s32 s17, $0x2FF;
	vm0 =	vlt.f32 v3, v6;
	s21 =	sadd.s32 $0xFFFFFFFF, s19  }
0xec: {  	v7 =	vld [tilespmem:s20+$0xFFFFFE80];
	v3 =	vsel vm0, v3, v6;
	v5 =	vsel vm0, s21, v5  }
0xed: {  	vm0 =	vlt.f32 v4, v3  }
0xee: {  	v6 =	vld [tilespmem:s20+$0xFFFFFF00];
	v3 =	vsel vm0, v4, v3;
	v4 =	vsel vm0, s19, v5;
	s19 =	smov.u32 s18;
	s18 =	smov.u32 s17  }
0xef: {  	vm0 =	vlt.f32 v2, v3;
	s21 =	sadd.s32 $0xFFFFFFF9, s19  }
0xf0: {  	v2 =	vsel vm0, v2, v3;
	v3 =	vsel vm0, s21, v4;
	v4 =	vld [tilespmem:s20+$0xFFFFFF80]  }
0xf1: {  	s21 =	sadd.s32 $0xFFFFFFFA, s19;
	vm0 =	vlt.f32 v7, v2  }
0xf2: {  	v2 =	vsel vm0, v7, v2;
	v3 =	vsel vm0, s21, v3;
	v5 =	vld [tilespmem:s20+$0x0]  }
0xf3: {  	s21 =	sadd.s32 $0xFFFFFFFB, s19;
	vm0 =	vlt.f32 v6, v2  }
0xf4: {  	v2 =	vsel vm0, v6, v2;
	v3 =	vsel vm0, s21, v3;
	v6 =	vld [tilespmem:s20+$0x80]  }
0xf5: {  	s21 =	sadd.s32 $0xFFFFFFFC, s19;
	vm0 =	vlt.f32 v4, v2  }
.Ltmp5:
0xf6: {  	v2 =	vsel vm0, v4, v2;
	v4 =	vsel vm0, s21, v3;
	v3 =	vld [tilespmem:s20+$0x100];
	(pc) =	sbr.rel @p0 .LBB2_12-.Ltmp5, $4  }
0xf7: {  	s21 =	sadd.s32 $0xFFFFFFFD, s19;
	vm0 =	vlt.f32 v5, v2  }
0xf8: {  	v5 =	vsel vm0, v5, v2;
	v7 =	vsel vm0, s21, v4;
	v4 =	vld [tilespmem:s20+$0x180]  }
0xf9: {  	s21 =	sadd.s32 $0xFFFFFFFE, s19;
	s20 =	sadd.s32 $0x400, s20;
	vm0 =	vlt.f32 v6, v5  }
0xfa: {  	s17 =	sadd.s32 $0x8, s17;
	v2 =	vld [tilespmem:s20+$0xFFFFFE00];
	v6 =	vsel vm0, v6, v5;
	v5 =	vsel vm0, s21, v7  }
0xfb: {  	v7 =	vld [tilespmem:s20+$0xFFFFFE80]  }
0xfc: {  	v8 =	vld [tilespmem:s20+$0xFFFFFF00]  }
0xfd: {  	v9 =	vld [tilespmem:s20+$0xFFFFFF80]  }
0xfe: {  	v10 =	vld [tilespmem:s20+$0x0]  }
0xff: {  	v11 =	vld [tilespmem:s20+$0x80]  }
0x100: {  	v12 =	vld [tilespmem:s20+$0x100];
	vm0 =	vlt.f32 v3, v6  }
0x101: {  	v13 =	vld [tilespmem:s20+$0x180];
	[tilespmem:s2], [sflag:$0x2] =	stream.linear.gather [hbm4b:s7+s2], $0x8000, $0x38;
	v3 =	vsel vm0, v3, v6  }
0x102: {  	_ =	swait.ge [sflag:s11], $0x8000;
	vm1 =	vlt.f32 v4, v3  }
0x103: {  	[sflag:s11] =	ssyncset.done $0x0;
	v3 =	vsel vm1, v4, v3  }
0x104: {  	s20 =	simm.s32 $0x200;
	[sflag:s11] =	ssyncadd.s32 $0xFFFF8000;
	vm2 =	vlt.f32 v2, v3  }
0x105: {  	v2 =	vsel vm2, v2, v3;
	v3 =	vld [tilespmem:s20+$0xFFFFFE00]  }
0x106: {  	vm3 =	vlt.f32 v7, v2  }
0x107: {  	s17 =	sadd.s32 $0xFFFFFFFF, s19;
	v4 =	vld [tilespmem:s20+$0xFFFFFE80];
	v2 =	vsel vm3, v7, v2  }
0x108: {  	v5 =	vsel vm0, s17, v5;
	vm14 =	vlt.f32 v8, v2  }
0x109: {  	s31 =	sadd.s32 $0xFFFFFFF9, s18;
	v5 =	vsel vm1, s19, v5;
	v6 =	vld [tilespmem:s20+$0xFFFFFF00];
	v2 =	vsel vm14, v8, v2  }
0x10a: {  	s19 =	sadd.s32 $0xFFFFFFFA, s18;
	v5 =	vsel vm2, s31, v5;
	vm15 =	vlt.f32 v9, v2;
	vm6 =	vlt.f32 v3, v1  }
0x10b: {  	s21 =	sadd.s32 $0xFFFFFFFB, s18;
	v5 =	vsel vm3, s19, v5;
	v2 =	vsel vm15, v9, v2;
	v1 =	vsel vm6, v3, v1;
	v3 =	vld [tilespmem:s20+$0xFFFFFF80]  }
0x10c: {  	s22 =	sadd.s32 $0xFFFFFFFC, s18;
	v5 =	vsel vm14, s21, v5;
	vm7 =	vlt.f32 v10, v2;
	vm8 =	vlt.f32 v4, v1  }
0x10d: {  	s25 =	simm.s32 $0x300;
	v5 =	vsel vm15, s22, v5;
	v2 =	vsel vm7, v10, v2;
	v1 =	vsel vm8, v4, v1;
	v4 =	vld [tilespmem:s20+$0x0]  }
0x10e: {  	s23 =	sadd.s32 $0xFFFFFFFD, s18;
	v0 =	vsel vm6, s25, v0;
	vm9 =	vlt.f32 v11, v2;
	vm10 =	vlt.f32 v6, v1  }
0x10f: {  	s26 =	simm.s32 $0x301;
	v5 =	vsel vm7, s23, v5;
	v2 =	vsel vm9, v11, v2;
	v1 =	vsel vm10, v6, v1;
	v6 =	vld [tilespmem:s20+$0x80]  }
0x110: {  	s24 =	sadd.s32 $0xFFFFFFFE, s18;
	v0 =	vsel vm8, s26, v0;
	vm11 =	vlt.f32 v12, v2;
	vm12 =	vlt.f32 v3, v1  }
0x111: {  	s28 =	sadd.s32 $0xFFFFFFFF, s18;
	s29 =	simm.s32 $0x302;
	v5 =	vsel vm9, s24, v5;
	v7 =	vsel vm11, v12, v2;
	v1 =	vsel vm12, v3, v1;
	v2 =	vld [tilespmem:s20+$0x100]  }
0x112: {  	s30 =	simm.s32 $0x303;
	v0 =	vsel vm10, s29, v0;
	v3 =	vsel vm11, s28, v5;
	vm13 =	vlt.f32 v4, v1  }
0x113: {  	s17 =	simm.s32 $0x30F;
	s21 =	simm.s32 $0x304;
	v0 =	vsel vm12, s30, v0;
	vm14 =	vlt.f32 v13, v7;
	v5 =	vsel vm13, v4, v1;
	v4 =	vld [tilespmem:s20+$0x180]  }
0x114: {  	s31 =	simm.s32 $0x305;
	s19 =	simm.s32 $0x307;
	v1 =	vsel vm14, v13, v7;
	v7 =	vsel vm13, s21, v0;
	s20 =	simm.s32 $0x600;
	vm15 =	vlt.f32 v6, v5  }
0x115: {  	s22 =	simm.s32 $0x317;
	v0 =	vsel vm14, s18, v3;
	s21 =	simm.s32 $0x307;
	s18 =	simm.s32 $0x30F;
	v3 =	vld [tilespmem:s20+$0xFFFFFE00];
	v6 =	vsel vm15, v6, v5;
	v5 =	vsel vm15, s31, v7  }
.LBB2_14:
0x116: {  	p0 =	sne.s32 s22, $0x3FF;
	vm0 =	vlt.f32 v2, v6;
	s23 =	sadd.s32 $0xFFFFFFFF, s21  }
0x117: {  	v7 =	vld [tilespmem:s20+$0xFFFFFE80];
	v2 =	vsel vm0, v2, v6;
	v5 =	vsel vm0, s23, v5  }
0x118: {  	vm0 =	vlt.f32 v4, v2  }
0x119: {  	v6 =	vld [tilespmem:s20+$0xFFFFFF00];
	v2 =	vsel vm0, v4, v2;
	v4 =	vsel vm0, s21, v5;
	s21 =	smov.u32 s18;
	s18 =	smov.u32 s22  }
0x11a: {  	vm0 =	vlt.f32 v3, v2;
	s23 =	sadd.s32 $0xFFFFFFF9, s21  }
0x11b: {  	v2 =	vsel vm0, v3, v2;
	v3 =	vsel vm0, s23, v4;
	v4 =	vld [tilespmem:s20+$0xFFFFFF80]  }
0x11c: {  	s23 =	sadd.s32 $0xFFFFFFFA, s21;
	vm0 =	vlt.f32 v7, v2  }
0x11d: {  	v2 =	vsel vm0, v7, v2;
	v3 =	vsel vm0, s23, v3;
	v5 =	vld [tilespmem:s20+$0x0]  }
0x11e: {  	s23 =	sadd.s32 $0xFFFFFFFB, s21;
	vm0 =	vlt.f32 v6, v2  }
0x11f: {  	v2 =	vsel vm0, v6, v2;
	v3 =	vsel vm0, s23, v3;
	v6 =	vld [tilespmem:s20+$0x80]  }
0x120: {  	s23 =	sadd.s32 $0xFFFFFFFC, s21;
	vm0 =	vlt.f32 v4, v2  }
.Ltmp6:
0x121: {  	v4 =	vsel vm0, v4, v2;
	v3 =	vsel vm0, s23, v3;
	v2 =	vld [tilespmem:s20+$0x100];
	(pc) =	sbr.rel @p0 .LBB2_14-.Ltmp6, $4  }
0x122: {  	s23 =	sadd.s32 $0xFFFFFFFD, s21;
	vm0 =	vlt.f32 v5, v4  }
0x123: {  	v5 =	vsel vm0, v5, v4;
	v7 =	vsel vm0, s23, v3;
	v4 =	vld [tilespmem:s20+$0x180]  }
0x124: {  	s23 =	sadd.s32 $0xFFFFFFFE, s21;
	s20 =	sadd.s32 $0x400, s20;
	vm0 =	vlt.f32 v6, v5  }
0x125: {  	s22 =	sadd.s32 $0x8, s22;
	v3 =	vld [tilespmem:s20+$0xFFFFFE00];
	v6 =	vsel vm0, v6, v5;
	v5 =	vsel vm0, s23, v7  }
0x126: {  	vm0 =	vlt.f32 v2, v6  }
0x127: {  	v7 =	vld [tilespmem:s20+$0xFFFFFE80];
	v2 =	vsel vm0, v2, v6  }
0x128: {  	vm1 =	vlt.f32 v4, v2  }
0x129: {  	v6 =	vld [tilespmem:s20+$0xFFFFFF00];
	v2 =	vsel vm1, v4, v2  }
0x12a: {  	s22 =	simm.s32 $0x210;
	v4 =	vld [tilespmem:s20+$0xFFFFFF80];
	vm2 =	vlt.f32 v3, v2  }
0x12b: {  	v2 =	vsel vm2, v3, v2;
	v3 =	vld [tilespmem:s22+$0xFFFFFE00]  }
0x12c: {  	vm3 =	vlt.f32 v7, v2  }
0x12d: {  	v2 =	vsel vm3, v7, v2;
	v7 =	vld [tilespmem:s22+$0xFFFFFE80]  }
0x12e: {  	v8 =	vld [tilespmem:s20+$0x0];
	s23 =	sadd.s32 $0xFFFFFFFF, s21;
	vm4 =	vlt.f32 v6, v2  }
0x12f: {  	v5 =	vsel vm0, s23, v5;
	v2 =	vsel vm4, v6, v2;
	v6 =	vld [tilespmem:s22+$0xFFFFFF00]  }
0x130: {  	v9 =	vld [tilespmem:s20+$0x80];
	s26 =	sadd.s32 $0xFFFFFFF9, s18;
	v5 =	vsel vm1, s21, v5;
	vm13 =	vlt.f32 v4, v2;
	vm14 =	vlt.f32 v3, v1  }
0x131: {  	s28 =	sadd.s32 $0xFFFFFFFA, s18;
	s24 =	simm.s32 $0x300;
	v5 =	vsel vm2, s26, v5;
	v2 =	vsel vm13, v4, v2;
	v1 =	vsel vm14, v3, v1;
	v3 =	vld [tilespmem:s22+$0xFFFFFF80]  }
0x132: {  	s29 =	sadd.s32 $0xFFFFFFFB, s18;
	v4 =	vsel vm3, s28, v5;
	v5 =	vld [tilespmem:s20+$0x100];
	v0 =	vsel vm14, s24, v0;
	vm8 =	vlt.f32 v7, v1  }
0x133: {  	s30 =	sadd.s32 $0xFFFFFFFC, s18;
	vm15 =	vlt.f32 v8, v2;
	v4 =	vsel vm4, s29, v4;
	v1 =	vsel vm8, v7, v1;
	v7 =	vld [tilespmem:s22+$0x0]  }
0x134: {  	v63 =	vld [tilespmem:s20+$0x180];
	s25 =	simm.s32 $0x301;
	v2 =	vsel vm15, v8, v2;
	v4 =	vsel vm13, s30, v4;
	vm10 =	vlt.f32 v6, v1  }
0x135: {  	s31 =	sadd.s32 $0xFFFFFFFD, s18;
	v0 =	vsel vm8, s25, v0;
	vm9 =	vlt.f32 v9, v2;
	v1 =	vsel vm10, v6, v1;
	v6 =	vld [tilespmem:s22+$0x80]  }
0x136: {  	s23 =	sadd.s32 $0xFFFFFFFE, s18;
	v4 =	vsel vm15, s31, v4;
	v2 =	vsel vm9, v9, v2;
	vm11 =	vlt.f32 v3, v1  }
0x137: {  	s26 =	simm.s32 $0x302;
	v4 =	vsel vm9, s23, v4;
	vm12 =	vlt.f32 v5, v2;
	v3 =	vsel vm11, v3, v1;
	v1 =	vld [tilespmem:s22+$0x100]  }
0x138: {  	s29 =	simm.s32 $0x303;
	v0 =	vsel vm10, s26, v0;
	v2 =	vsel vm12, v5, v2;
	vm13 =	vlt.f32 v7, v3  }
0x139: {  	s28 =	sadd.s32 $0xFFFFFFFF, s18;
	s30 =	simm.s32 $0x304;
	v0 =	vsel vm11, s29, v0;
	vm14 =	vlt.f32 v63, v2;
	v2 =	vld [tilespmem:s22+$0x180];
	v5 =	vsel vm13, v7, v3  }
0x13a: {  	s20 =	simm.s32 $0x610;
	s31 =	simm.s32 $0x305;
	v4 =	vsel vm12, s28, v4;
	v7 =	vsel vm13, s30, v0;
	vm15 =	vlt.f32 v6, v5  }
0x13b: {  	v0 =	vsel vm14, s18, v4;
	v3 =	vld [tilespmem:s20+$0xFFFFFE00];
	s18 =	simm.s32 $0x317;
	v5 =	vsel vm15, v6, v5;
	v4 =	vsel vm15, s31, v7  }
.LBB2_16:
0x13c: {  	p0 =	sne.s32 s18, $0x3FF;
	vm0 =	vlt.f32 v1, v5;
	s21 =	sadd.s32 $0xFFFFFFFF, s19  }
0x13d: {  	v6 =	vld [tilespmem:s20+$0xFFFFFE80];
	v1 =	vsel vm0, v1, v5;
	v4 =	vsel vm0, s21, v4  }
0x13e: {  	vm0 =	vlt.f32 v2, v1  }
0x13f: {  	v5 =	vld [tilespmem:s20+$0xFFFFFF00];
	v1 =	vsel vm0, v2, v1;
	v2 =	vsel vm0, s19, v4;
	s19 =	smov.u32 s17;
	s17 =	smov.u32 s18  }
0x140: {  	vm0 =	vlt.f32 v3, v1;
	s21 =	sadd.s32 $0xFFFFFFF9, s19  }
0x141: {  	v1 =	vsel vm0, v3, v1;
	v2 =	vsel vm0, s21, v2;
	v3 =	vld [tilespmem:s20+$0xFFFFFF80]  }
0x142: {  	s21 =	sadd.s32 $0xFFFFFFFA, s19;
	vm0 =	vlt.f32 v6, v1  }
0x143: {  	v1 =	vsel vm0, v6, v1;
	v2 =	vsel vm0, s21, v2;
	v4 =	vld [tilespmem:s20+$0x0]  }
0x144: {  	s21 =	sadd.s32 $0xFFFFFFFB, s19;
	vm0 =	vlt.f32 v5, v1  }
0x145: {  	v1 =	vsel vm0, v5, v1;
	v2 =	vsel vm0, s21, v2;
	v5 =	vld [tilespmem:s20+$0x80]  }
0x146: {  	s21 =	sadd.s32 $0xFFFFFFFC, s19;
	vm0 =	vlt.f32 v3, v1  }
.Ltmp7:
0x147: {  	v3 =	vsel vm0, v3, v1;
	v2 =	vsel vm0, s21, v2;
	v1 =	vld [tilespmem:s20+$0x100];
	(pc) =	sbr.rel @p0 .LBB2_16-.Ltmp7, $4  }
0x148: {  	s21 =	sadd.s32 $0xFFFFFFFD, s19;
	vm0 =	vlt.f32 v4, v3  }
0x149: {  	v4 =	vsel vm0, v4, v3;
	v6 =	vsel vm0, s21, v2;
	v2 =	vld [tilespmem:s20+$0x180]  }
0x14a: {  	s21 =	sadd.s32 $0xFFFFFFFE, s19;
	s20 =	sadd.s32 $0x400, s20;
	vm0 =	vlt.f32 v5, v4  }
0x14b: {  	s18 =	sadd.s32 $0x8, s18;
	v3 =	vld [tilespmem:s20+$0xFFFFFE00];
	v5 =	vsel vm0, v5, v4;
	v4 =	vsel vm0, s21, v6  }
0x14c: {  	vm0 =	vlt.f32 v1, v5  }
0x14d: {  	v6 =	vld [tilespmem:s20+$0xFFFFFE80];
	v1 =	vsel vm0, v1, v5  }
0x14e: {  	vm1 =	vlt.f32 v2, v1  }
0x14f: {  	v57 =	vld [tilespmem:s20+$0xFFFFFF00];
	v1 =	vsel vm1, v2, v1  }
0x150: {  	vm2 =	vlt.f32 v3, v1  }
0x151: {  	v58 =	vld [tilespmem:s20+$0xFFFFFF80];
	v1 =	vsel vm2, v3, v1  }
0x152: {  	vm3 =	vlt.f32 v6, v1  }
0x153: {  	v59 =	vld [tilespmem:s20+$0x0];
	v1 =	vsel vm3, v6, v1  }
0x154: {  	vm4 =	vlt.f32 v57, v1  }
0x155: {  	s18 =	sadd.s32 $0xFFFFFFFF, s19;
	v60 =	vld [tilespmem:s20+$0x80];
	v1 =	vsel vm4, v57, v1  }
0x156: {  	v4 =	vsel vm0, s18, v4;
	vm11 =	vlt.f32 v58, v1  }
0x157: {  	s24 =	sadd.s32 $0xFFFFFFF9, s17;
	v61 =	vld [tilespmem:s20+$0x100];
	v4 =	vsel vm1, s19, v4;
	v1 =	vsel vm11, v58, v1  }
0x158: {  	s25 =	sadd.s32 $0xFFFFFFFA, s17;
	v4 =	vsel vm2, s24, v4;
	vm12 =	vlt.f32 v59, v1  }
0x159: {  	s26 =	sadd.s32 $0xFFFFFFFB, s17;
	v62 =	vld [tilespmem:s20+$0x180];
	v4 =	vsel vm3, s25, v4;
	v1 =	vsel vm12, v59, v1  }
0x15a: {  	s28 =	sadd.s32 $0xFFFFFFFC, s17;
	v4 =	vsel vm4, s26, v4;
	vm13 =	vlt.f32 v60, v1  }
0x15b: {  	s29 =	sadd.s32 $0xFFFFFFFD, s17;
	v4 =	vsel vm11, s28, v4;
	v1 =	vsel vm13, v60, v1  }
0x15c: {  	s30 =	sadd.s32 $0xFFFFFFFE, s17;
	v4 =	vsel vm12, s29, v4;
	vm14 =	vlt.f32 v61, v1  }
0x15d: {  	s31 =	sadd.s32 $0xFFFFFFFF, s17;
	v4 =	vsel vm13, s30, v4;
	v1 =	vsel vm14, v61, v1  }
0x15e: {  	v63 =	vsel vm14, s31, v4;
	vm15 =	vlt.f32 v62, v1  }
0x15f: {  	[tilespmem:$0x8000] =	vst v0;
	v1 =	vsel vm15, s17, v63  }
0x160: {  	[tilespmem:$0x8010] =	vst v1  }
0x161: {  	[tilespmem:s14], [sflag:$0x1] =	stream.indirect.gather [hbm4b:s3+s12], $0x80, s13, s12, $0xb8;
	[tilespmem:$0x9080] =	vst v63  }
0x162: {  	_ =	swait.ge [sflag:s15], $0x1000  }
0x163: {  	[sflag:s15] =	ssyncset.done $0x0  }
0x164: {  	[sflag:s15] =	ssyncadd.s32 $0xFFFFF000  }
0x165: {  	[hbm4b:s8+s2] =	stream.linear.scatter [tilespmem:s14], [sflag:$0x2], $0x1000, $0x38;
	[tilespmem:$0x9080] =	vst v63  }
0x166: {  	s16 =	sadd.s32 $0x1, s16;
	_ =	swait.ge [sflag:s11], $0x1000  }
0x167: {  	p0 =	sne.s32 s16, s10;
	[sflag:s11] =	ssyncset.done $0x0  }
.Ltmp8:
0x168: {  	[sflag:s11] =	ssyncadd.s32 $0xFFFFF000;
	(pc) =	sbr.rel @p0 .LBB2_1-.Ltmp8, $4  }
0x169: {  	[hbm4b:s9+s2] =	stream.linear.scatter [tilespmem:s13], [sflag:$0x2], $0x20, $0x38;
	[tilespmem:$0x9080] =	vst v63  }
0x16a: {  	_ =	swait.ge [sflag:s11], $0x20  }
0x16b: {  	[sflag:s11] =	ssyncset.done $0x0  }
0x16c: {  	[sflag:s11] =	ssyncadd.s32 $0xFFFFFFE0  }
0x16d: {  	_ =	sfence.sel $0x180000  }
0x16e: {  	[bflag:$0x0] =	sbarrier.arrive $0xFFFF  }
0x16f: {  	p0 =	sne.s32 s1, $0x0;
	_ =	strace $0x90000047  }
0x170: {  	s0 =	sadd.s32 @!p0 $0x100000, s0;
	[bflag:$0x2] =	sbarrier.arrive $0xFFFF  }
0x171: {  	[sflag:s0] =	ssyncadd.tile.s32 @!p0 $0x1;
	_ =	shalt  }
.Lfunc_end2:
_tile_overlayer_lowered:
.L_overlay_start_2:
0x172: {  	(tag) =	ssettag $0x2  }
0x173: {  	s0 =	rddreg [dreg:$0x0];
	s2 =	stileid.u32  }
0x174: {  	s1 =	rddreg [dreg:$0x1];
	p0 =	sne.s32 s2, $0x0  }
0x175: {  	s3 =	rddreg [dreg:$0x2];
	[bflag:$0x3] =	sbarrier.arrive $0xFFFF;
	s2 =	simm.s32 @!p0 $0x1C02  }
0x176: {  	[timem:s3], [sflag:s2] =	dma.local @!p0 [hbm:s0], s1  }
0x177: {  	s0 =	simm.s32 @!p0 $0x2  }
0x178: {  	_ =	swait.ge @!p0 [sflag:s0], s1  }
0x179: {  	s1 =	ssub.s32 @!p0 $0x0, s1;
	[sflag:s0] =	ssyncset.done @!p0 $0x0  }
0x17a: {  	[sflag:s0] =	ssyncadd.s32 @!p0 s1  }
0x17b: {  	[bflag:$0x3] =	sbarrier.arrive $0xFFFF  }
0x17c: {  	_ =	shalt  }

</sc_bundles>
